<compile_context>
chip_gen: v7x
topology: tpu7x:2x2x1
jax: 0.10.2.dev20260603
libtpu: 0.0.44.dev20260713+nightly
codegen_flags: <defaults>
</compile_context>

<pallas_src>
import jax
import jax.numpy as jnp
from jax import lax
from jax.experimental import pallas as pl
from jax.experimental.pallas import tpu as pltpu
from jax.experimental.pallas import tpu_sc as plsc

_RING = 4
_G = 8


def _make_sc_call(b, l, d):
    info = plsc.get_sparse_core_info()
    num_workers = info.num_cores * info.num_subcores
    assert b % (num_workers * _G) == 0
    bpw = b // num_workers
    n_groups = bpw // _G
    n_chunks = (bpw * l) // 16

    def body(pat_hbm, tbl_hbm, ques_hbm, out_hbm, pat_v, zrow_v, ques_v,
             sem):
        wid = lax.axis_index("s") * info.num_cores + lax.axis_index("c")
        b0 = wid * bpw

        pltpu.sync_copy(pat_hbm, pat_v)
        pltpu.sync_copy(tbl_hbm.at[pl.ds(0, 1)], zrow_v)
        pltpu.sync_copy(ques_hbm.at[pl.ds(b0 * l, bpw * l)], ques_v)

        def bulk_copy(i):
            return pltpu.make_async_copy(
                pat_v, out_hbm.at[:, pl.ds(b0 + i * _G, _G), :], sem)

        def p1(i, carry):
            bulk_copy(i).start()

            @pl.when(i >= _RING)
            def _():
                bulk_copy(i - _RING).wait()

            return carry

        lax.fori_loop(0, n_groups, p1, 0)

        def p1_drain(i, carry):
            bulk_copy(n_groups - _RING + i).wait()
            return carry

        lax.fori_loop(0, _RING, p1_drain, 0)

        def p2(c, carry):
            q = ques_v[pl.ds(c * 16, 16)]
            for lane in range(16):
                @pl.when(q[lane] == 0)
                def _():
                    f = c * 16 + lane
                    bb = b0 + f // l
                    ll = f % l
                    pltpu.sync_copy(
                        zrow_v, out_hbm.at[pl.ds(ll, 1), pl.ds(bb, 1), :])

            return carry

        lax.fori_loop(0, n_chunks, p2, 0)

    mesh = plsc.VectorSubcoreMesh(core_axis_name="c", subcore_axis_name="s")
    return pl.kernel(
        body,
        mesh=mesh,
        out_type=jax.ShapeDtypeStruct((l, b, d), jnp.float32),
        scratch_types=[
            pltpu.VMEM((l, _G, d), jnp.float32),
            pltpu.VMEM((1, 1, d), jnp.float32),
            pltpu.VMEM((bpw * l,), jnp.int32),
            pltpu.SemaphoreType.DMA,
        ],
    )


@jax.jit
def kernel(ques_ix, pos_table):
    b, l = ques_ix.shape
    n_pos, d = pos_table.shape
    pattern = jnp.broadcast_to(pos_table[1:l + 1][:, None, :], (l, _G, d))
    tbl3 = pos_table.reshape(n_pos, 1, d)
    call = _make_sc_call(b, l, d)
    out_t = call(pattern, tbl3, ques_ix.reshape(b * l))
    return jnp.transpose(out_t, (1, 0, 2))

# --- scband reference (transcript-rebuilt; emitter-appended) ---
"""Pipeline reference for scband-position-enc-69483980914740 (READ-ONLY COPY).

The authoritative reference and input builder live on the scoring server;
editing this copy changes nothing except your own understanding.
"""

import jax, jax.numpy as jnp
import numpy as np

N_POSITION = 15
D_HID = 1024
BATCH = 16384
SEQ = 14


def _sinusoid_table(n_position, d_hid, padding_idx=None):
    positions = np.arange(n_position, dtype=np.float64)[:, None]
    hid = np.arange(d_hid)[None, :]
    table = positions / np.power(10000.0, 2.0 * (hid // 2) / d_hid)
    table[:, 0::2] = np.sin(table[:, 0::2])
    table[:, 1::2] = np.cos(table[:, 1::2])
    if padding_idx is not None:
        table[padding_idx] = 0.0
    return jnp.asarray(table, dtype=jnp.float32)


def setup_inputs(seed: int = 0) -> dict:
    key = jax.random.key(seed)
    ques_ix = jax.random.randint(key, (BATCH, SEQ), 0, 100, dtype=jnp.int32)
    pos_table = _sinusoid_table(N_POSITION, D_HID, padding_idx=0)
    return {"ques_ix": ques_ix, "pos_table": pos_table}


def reference(ques_ix, pos_table):
    B, L = ques_ix.shape
    # ques_len = 1 where token id > 0 else the (zero) id itself
    ques_len = jnp.where(ques_ix > 0, jnp.ones_like(ques_ix), ques_ix)
    # positions 1..L repeated per batch row
    pos = jnp.tile(jnp.arange(1, L + 1, dtype=ques_ix.dtype)[None, :], (B, 1))
    pos = pos * ques_len  # padding tokens map to position 0 (zeroed row)
    # embedding lookup (gather)
    return jnp.take(pos_table, pos, axis=0)

if __name__ == "__main__":
    import jax
    _d = setup_inputs()
    print(jax.jit(kernel)(*tuple(_d.values())))

</pallas_src>

<mosaic_0001>
#map = affine_map<(d0, d1) -> (0, 0, 0)>
#map1 = affine_map<(d0, d1) -> (0)>
module attributes {stable_mosaic.version = 14 : i64} {
  func.func @body(%arg0: i32, %arg1: i32, %arg2: memref<14x8x1024xf32, #tpu.memory_space<hbm>>, %arg3: memref<15x1x1024xf32, #tpu.memory_space<hbm>>, %arg4: memref<229376xi32, #tpu.memory_space<hbm>>, %arg5: memref<14x16384x1024xf32, #tpu.memory_space<hbm>>, %arg6: memref<14x8x1024xf32, #tpu.memory_space<vmem>>, %arg7: memref<1x1x1024xf32, #tpu.memory_space<vmem>>, %arg8: memref<7168xi32, #tpu.memory_space<vmem>>, %arg9: memref<!tpu.dma_semaphore, #tpu.memory_space<semaphore_mem>>) attributes {dimension_semantics = [#tpu.dimension_semantics<core_parallel>, #tpu.dimension_semantics<subcore_parallel>], iteration_bounds = array<i64: 2, 16>, scalar_prefetch = 0 : i64, scratch_operands = 4 : i64, tpu.core_type = #tpu.core_type<sc_vector_subcore>, window_params = [{transform_indices = #map}, {transform_indices = #map}, {transform_indices = #map1}, {transform_indices = #map}]} {
    %mul3A = arith.constant 2 : i32
    %mul3A_0 = arith.muli %arg1, %mul3A : i32
    %add3A = arith.addi %mul3A_0, %arg0 : i32
    %mul3A_1 = arith.constant 512 : i32
    %mul3A_2 = arith.muli %add3A, %mul3A_1 : i32
    "tpu.region"() ({
      %run_scoped3A = tpu.sem_alloc : memref<!tpu.dma_semaphore, #tpu.memory_space<semaphore_mem>>
      tpu.enqueue_dma source(%arg2 : memref<14x8x1024xf32, #tpu.memory_space<hbm>>) target(%arg6 : memref<14x8x1024xf32, #tpu.memory_space<vmem>>) target_semaphore(%run_scoped3A : memref<!tpu.dma_semaphore, #tpu.memory_space<semaphore_mem>>)
      tpu.wait_dma2 semaphore(%run_scoped3A : memref<!tpu.dma_semaphore, #tpu.memory_space<semaphore_mem>>) src(%arg2 : memref<14x8x1024xf32, #tpu.memory_space<hbm>>) dst(%arg6 : memref<14x8x1024xf32, #tpu.memory_space<vmem>>)
      tpu.yield
    }) : () -> ()
    "tpu.region"() ({
      %run_scoped3A = tpu.sem_alloc : memref<!tpu.dma_semaphore, #tpu.memory_space<semaphore_mem>>
      %dma_start3A = arith.constant 0 : i32
      %dma_start3A_22 = arith.constant 0 : i32
      %dma_start3A_23 = arith.constant 0 : i32
      %dma_start3A_24 = tpu.memref_slice %arg3[%dma_start3A, %dma_start3A_22, %dma_start3A_23] : memref<15x1x1024xf32, #tpu.memory_space<hbm>> -> memref<1x1x1024xf32, #tpu.memory_space<hbm>>
      %dma_start3A_25 = arith.constant 0 : i32
      %dma_start3A_26 = arith.constant 0 : i32
      %dma_start3A_27 = arith.constant 0 : i32
      %dma_start3A_28 = tpu.memref_slice %arg3[%dma_start3A_25, %dma_start3A_26, %dma_start3A_27] : memref<15x1x1024xf32, #tpu.memory_space<hbm>> -> memref<1x1x1024xf32, #tpu.memory_space<hbm>>
      tpu.enqueue_dma source(%dma_start3A_28 : memref<1x1x1024xf32, #tpu.memory_space<hbm>>) target(%arg7 : memref<1x1x1024xf32, #tpu.memory_space<vmem>>) target_semaphore(%run_scoped3A : memref<!tpu.dma_semaphore, #tpu.memory_space<semaphore_mem>>)
      %dma_wait3A = arith.constant 0 : i32
      %dma_wait3A_29 = arith.constant 0 : i32
      %dma_wait3A_30 = arith.constant 0 : i32
      %dma_wait3A_31 = tpu.memref_slice %arg3[%dma_wait3A, %dma_wait3A_29, %dma_wait3A_30] : memref<15x1x1024xf32, #tpu.memory_space<hbm>> -> memref<1x1x1024xf32, #tpu.memory_space<hbm>>
      %dma_wait3A_32 = arith.constant 0 : i32
      %dma_wait3A_33 = arith.constant 0 : i32
      %dma_wait3A_34 = arith.constant 0 : i32
      %dma_wait3A_35 = tpu.memref_slice %arg3[%dma_wait3A_32, %dma_wait3A_33, %dma_wait3A_34] : memref<15x1x1024xf32, #tpu.memory_space<hbm>> -> memref<1x1x1024xf32, #tpu.memory_space<hbm>>
      tpu.wait_dma2 semaphore(%run_scoped3A : memref<!tpu.dma_semaphore, #tpu.memory_space<semaphore_mem>>) src(%dma_wait3A_35 : memref<1x1x1024xf32, #tpu.memory_space<hbm>>) dst(%arg7 : memref<1x1x1024xf32, #tpu.memory_space<vmem>>)
      tpu.yield
    }) : () -> ()
    %mul3A_3 = arith.constant 14 : i32
    %mul3A_4 = arith.muli %mul3A_2, %mul3A_3 : i32
    "tpu.region"() ({
      %run_scoped3A = tpu.sem_alloc : memref<!tpu.dma_semaphore, #tpu.memory_space<semaphore_mem>>
      %dma_start3A = tpu.memref_slice %arg4[%mul3A_4] : memref<229376xi32, #tpu.memory_space<hbm>> -> memref<7168xi32, #tpu.memory_space<hbm>>
      %dma_start3A_22 = tpu.memref_slice %arg4[%mul3A_4] : memref<229376xi32, #tpu.memory_space<hbm>> -> memref<7168xi32, #tpu.memory_space<hbm>>
      tpu.enqueue_dma source(%dma_start3A_22 : memref<7168xi32, #tpu.memory_space<hbm>>) target(%arg8 : memref<7168xi32, #tpu.memory_space<vmem>>) target_semaphore(%run_scoped3A : memref<!tpu.dma_semaphore, #tpu.memory_space<semaphore_mem>>)
      %dma_wait3A = tpu.memref_slice %arg4[%mul3A_4] : memref<229376xi32, #tpu.memory_space<hbm>> -> memref<7168xi32, #tpu.memory_space<hbm>>
      %dma_wait3A_23 = tpu.memref_slice %arg4[%mul3A_4] : memref<229376xi32, #tpu.memory_space<hbm>> -> memref<7168xi32, #tpu.memory_space<hbm>>
      tpu.wait_dma2 semaphore(%run_scoped3A : memref<!tpu.dma_semaphore, #tpu.memory_space<semaphore_mem>>) src(%dma_wait3A_23 : memref<7168xi32, #tpu.memory_space<hbm>>) dst(%arg8 : memref<7168xi32, #tpu.memory_space<vmem>>)
      tpu.yield
    }) : () -> ()
    %scan3A = arith.constant 0 : i32
    %scan3A_5 = arith.constant 0 : i32
    %scan3A_6 = arith.constant 64 : i32
    %scan3A_7 = arith.addi %scan3A_5, %scan3A_6 : i32
    %scan3A_8 = arith.constant 1 : i32
    scf.for %scan3A_22 = %scan3A_5 to %scan3A_7 step %scan3A_8  : i32 {
      %mul3A_23 = arith.constant 8 : i32
      %mul3A_24 = arith.muli %scan3A_22, %mul3A_23 : i32
      %add3A_25 = arith.addi %mul3A_2, %mul3A_24 : i32
      %dma_start3A = arith.constant 0 : i32
      %dma_start3A_26 = arith.constant 0 : i32
      %dma_start3A_27 = tpu.memref_slice %arg5[%dma_start3A, %add3A_25, %dma_start3A_26] : memref<14x16384x1024xf32, #tpu.memory_space<hbm>> -> memref<14x8x1024xf32, #tpu.memory_space<hbm>>
      %dma_start3A_28 = arith.constant 0 : i32
      %dma_start3A_29 = arith.constant 0 : i32
      %dma_start3A_30 = tpu.memref_slice %arg5[%dma_start3A_28, %add3A_25, %dma_start3A_29] : memref<14x16384x1024xf32, #tpu.memory_space<hbm>> -> memref<14x8x1024xf32, #tpu.memory_space<hbm>>
      tpu.enqueue_dma source(%arg6 : memref<14x8x1024xf32, #tpu.memory_space<vmem>>) target(%dma_start3A_30 : memref<14x8x1024xf32, #tpu.memory_space<hbm>>) target_semaphore(%arg9 : memref<!tpu.dma_semaphore, #tpu.memory_space<semaphore_mem>>)
      %ge3A = arith.constant 4 : i32
      %ge3A_31 = arith.cmpi sge, %scan3A_22, %ge3A : i32
      %convert_element_type3A = arith.extui %ge3A_31 : i1 to i32
      %cond3A = arith.constant 0 : i32
      %cond3A_32 = arith.cmpi ne, %convert_element_type3A, %cond3A : i32
      scf.if %cond3A_32 {
        %sub3A = arith.constant 4 : i32
        %sub3A_33 = arith.subi %scan3A_22, %sub3A : i32
        %mul3A_34 = arith.constant 8 : i32
        %mul3A_35 = arith.muli %sub3A_33, %mul3A_34 : i32
        %add3A_36 = arith.addi %mul3A_2, %mul3A_35 : i32
        %dma_wait3A = arith.constant 0 : i32
        %dma_wait3A_37 = arith.constant 0 : i32
        %dma_wait3A_38 = tpu.memref_slice %arg5[%dma_wait3A, %add3A_36, %dma_wait3A_37] : memref<14x16384x1024xf32, #tpu.memory_space<hbm>> -> memref<14x8x1024xf32, #tpu.memory_space<hbm>>
        %dma_wait3A_39 = arith.constant 0 : i32
        %dma_wait3A_40 = arith.constant 0 : i32
        %dma_wait3A_41 = tpu.memref_slice %arg5[%dma_wait3A_39, %add3A_36, %dma_wait3A_40] : memref<14x16384x1024xf32, #tpu.memory_space<hbm>> -> memref<14x8x1024xf32, #tpu.memory_space<hbm>>
        tpu.wait_dma2 semaphore(%arg9 : memref<!tpu.dma_semaphore, #tpu.memory_space<semaphore_mem>>) src(%arg6 : memref<14x8x1024xf32, #tpu.memory_space<vmem>>) dst(%dma_wait3A_41 : memref<14x8x1024xf32, #tpu.memory_space<hbm>>)
      } else {
      }
    }
    %scan3A_9 = arith.constant 64 : i32
    %scan3A_10 = arith.constant 0 : i32
    %scan3A_11 = arith.constant 0 : i32
    %scan3A_12 = arith.constant 4 : i32
    %scan3A_13 = arith.addi %scan3A_11, %scan3A_12 : i32
    %scan3A_14 = arith.constant 1 : i32
    scf.for %scan3A_22 = %scan3A_11 to %scan3A_13 step %scan3A_14  : i32 {
      %add3A_23 = arith.constant 60 : i32
      %add3A_24 = arith.addi %add3A_23, %scan3A_22 : i32
      %mul3A_25 = arith.constant 8 : i32
      %mul3A_26 = arith.muli %add3A_24, %mul3A_25 : i32
      %add3A_27 = arith.addi %mul3A_2, %mul3A_26 : i32
      %dma_wait3A = arith.constant 0 : i32
      %dma_wait3A_28 = arith.constant 0 : i32
      %dma_wait3A_29 = tpu.memref_slice %arg5[%dma_wait3A, %add3A_27, %dma_wait3A_28] : memref<14x16384x1024xf32, #tpu.memory_space<hbm>> -> memref<14x8x1024xf32, #tpu.memory_space<hbm>>
      %dma_wait3A_30 = arith.constant 0 : i32
      %dma_wait3A_31 = arith.constant 0 : i32
      %dma_wait3A_32 = tpu.memref_slice %arg5[%dma_wait3A_30, %add3A_27, %dma_wait3A_31] : memref<14x16384x1024xf32, #tpu.memory_space<hbm>> -> memref<14x8x1024xf32, #tpu.memory_space<hbm>>
      tpu.wait_dma2 semaphore(%arg9 : memref<!tpu.dma_semaphore, #tpu.memory_space<semaphore_mem>>) src(%arg6 : memref<14x8x1024xf32, #tpu.memory_space<vmem>>) dst(%dma_wait3A_32 : memref<14x8x1024xf32, #tpu.memory_space<hbm>>)
    }
    %scan3A_15 = arith.constant 4 : i32
    %scan3A_16 = arith.constant 0 : i32
    %scan3A_17 = arith.constant 0 : i32
    %scan3A_18 = arith.constant 448 : i32
    %scan3A_19 = arith.addi %scan3A_17, %scan3A_18 : i32
    %scan3A_20 = arith.constant 1 : i32
    scf.for %scan3A_22 = %scan3A_17 to %scan3A_19 step %scan3A_20  : i32 {
      %mul3A_23 = arith.constant 16 : i32
      %mul3A_24 = arith.muli %scan3A_22, %mul3A_23 : i32
      %get3A = arith.index_cast %mul3A_24 : i32 to index
      %get3A_25 = tpu.vector_load %arg8[%get3A] {strides = array<i32>} : memref<7168xi32, #tpu.memory_space<vmem>>, vector<16xi32>,
      %get3A_26 = vector.shape_cast %get3A_25 : vector<16xi32> to vector<16xi32>
      %slice3A = vector.extract_strided_slice %get3A_26 {offsets = [0], sizes = [1], strides = [1]} : vector<16xi32> to vector<1xi32>
      %squeeze3A = vector.extract %slice3A[0] : i32 from vector<1xi32>
      %eq3A = arith.constant 0 : i32
      %eq3A_27 = arith.cmpi eq, %squeeze3A, %eq3A : i32
      %convert_element_type3A = arith.extui %eq3A_27 : i1 to i32
      %cond3A = arith.constant 0 : i32
      %cond3A_28 = arith.cmpi ne, %convert_element_type3A, %cond3A : i32
      scf.if %cond3A_28 {
        %mul3A_134 = arith.constant 16 : i32
        %mul3A_135 = arith.muli %scan3A_22, %mul3A_134 : i32
        %add3A_136 = arith.constant 0 : i32
        %add3A_137 = arith.addi %mul3A_135, %add3A_136 : i32
        %jit3A = arith.constant 14 : i32
        %div3A = arith.divsi %add3A_137, %jit3A : i32
        %sign3A = arith.constant 0 : i32
        %sign3A_138 = arith.cmpi sgt, %add3A_137, %sign3A : i32
        %sign3A_139 = arith.extui %sign3A_138 : i1 to i32
        %sign3A_140 = arith.constant 0 : i32
        %sign3A_141 = arith.cmpi slt, %add3A_137, %sign3A_140 : i32
        %sign3A_142 = arith.extui %sign3A_141 : i1 to i32
        %sign3A_143 = arith.subi %sign3A_139, %sign3A_142 : i32
        %sign3A_144 = arith.constant 0 : i32
        %sign3A_145 = arith.cmpi sgt, %jit3A, %sign3A_144 : i32
        %sign3A_146 = arith.extui %sign3A_145 : i1 to i32
        %sign3A_147 = arith.constant 0 : i32
        %sign3A_148 = arith.cmpi slt, %jit3A, %sign3A_147 : i32
        %sign3A_149 = arith.extui %sign3A_148 : i1 to i32
        %sign3A_150 = arith.subi %sign3A_146, %sign3A_149 : i32
        %ne3A = arith.cmpi ne, %sign3A_143, %sign3A_150 : i32
        %rem3A = arith.remsi %add3A_137, %jit3A : i32
        %ne3A_151 = arith.constant 0 : i32
        %ne3A_152 = arith.cmpi ne, %rem3A, %ne3A_151 : i32
        %and3A = arith.andi %ne3A, %ne3A_152 : i1
        %sub3A = arith.constant 1 : i32
        %sub3A_153 = arith.subi %div3A, %sub3A : i32
        %select_n3A = arith.select %and3A, %sub3A_153, %div3A : i32
        %add3A_154 = arith.addi %mul3A_2, %select_n3A : i32
        %jit3A_155 = arith.constant 14 : i32
        %eq3A_156 = arith.constant 0 : i32
        %eq3A_157 = arith.cmpi eq, %jit3A_155, %eq3A_156 : i32
        %jit3A_158 = arith.constant 1 : i32
        %select_n3A_159 = arith.select %eq3A_157, %jit3A_158, %jit3A_155 : i32
        %rem3A_160 = arith.remsi %add3A_137, %select_n3A_159 : i32
        %ne3A_161 = arith.constant 0 : i32
        %ne3A_162 = arith.cmpi ne, %rem3A_160, %ne3A_161 : i32
        %lt3A = arith.constant 0 : i32
        %lt3A_163 = arith.cmpi slt, %rem3A_160, %lt3A : i32
        %lt3A_164 = arith.constant 0 : i32
        %lt3A_165 = arith.cmpi slt, %select_n3A_159, %lt3A_164 : i32
        %ne3A_166 = arith.xori %lt3A_163, %lt3A_165 : i1
        %and3A_167 = arith.andi %ne3A_166, %ne3A_162 : i1
        %add3A_168 = arith.addi %rem3A_160, %select_n3A_159 : i32
        %select_n3A_169 = arith.select %and3A_167, %add3A_168, %rem3A_160 : i32
        "tpu.region"() ({
          %run_scoped3A = tpu.sem_alloc : memref<!tpu.dma_semaphore, #tpu.memory_space<semaphore_mem>>
          %dma_start3A = arith.constant 0 : i32
          %dma_start3A_170 = tpu.memref_slice %arg5[%select_n3A_169, %add3A_154, %dma_start3A] : memref<14x16384x1024xf32, #tpu.memory_space<hbm>> -> memref<1x1x1024xf32, #tpu.memory_space<hbm>>
          %dma_start3A_171 = arith.constant 0 : i32
          %dma_start3A_172 = tpu.memref_slice %arg5[%select_n3A_169, %add3A_154, %dma_start3A_171] : memref<14x16384x1024xf32, #tpu.memory_space<hbm>> -> memref<1x1x1024xf32, #tpu.memory_space<hbm>>
          tpu.enqueue_dma source(%arg7 : memref<1x1x1024xf32, #tpu.memory_space<vmem>>) target(%dma_start3A_172 : memref<1x1x1024xf32, #tpu.memory_space<hbm>>) target_semaphore(%run_scoped3A : memref<!tpu.dma_semaphore, #tpu.memory_space<semaphore_mem>>)
          %dma_wait3A = arith.constant 0 : i32
          %dma_wait3A_173 = tpu.memref_slice %arg5[%select_n3A_169, %add3A_154, %dma_wait3A] : memref<14x16384x1024xf32, #tpu.memory_space<hbm>> -> memref<1x1x1024xf32, #tpu.memory_space<hbm>>
          %dma_wait3A_174 = arith.constant 0 : i32
          %dma_wait3A_175 = tpu.memref_slice %arg5[%select_n3A_169, %add3A_154, %dma_wait3A_174] : memref<14x16384x1024xf32, #tpu.memory_space<hbm>> -> memref<1x1x1024xf32, #tpu.memory_space<hbm>>
          tpu.wait_dma2 semaphore(%run_scoped3A : memref<!tpu.dma_semaphore, #tpu.memory_space<semaphore_mem>>) src(%arg7 : memref<1x1x1024xf32, #tpu.memory_space<vmem>>) dst(%dma_wait3A_175 : memref<1x1x1024xf32, #tpu.memory_space<hbm>>)
          tpu.yield
        }) : () -> ()
      } else {
      }
      %slice3A_29 = vector.extract_strided_slice %get3A_26 {offsets = [1], sizes = [1], strides = [1]} : vector<16xi32> to vector<1xi32>
      %squeeze3A_30 = vector.extract %slice3A_29[0] : i32 from vector<1xi32>
      %eq3A_31 = arith.constant 0 : i32
      %eq3A_32 = arith.cmpi eq, %squeeze3A_30, %eq3A_31 : i32
      %convert_element_type3A_33 = arith.extui %eq3A_32 : i1 to i32
      %cond3A_34 = arith.constant 0 : i32
      %cond3A_35 = arith.cmpi ne, %convert_element_type3A_33, %cond3A_34 : i32
      scf.if %cond3A_35 {
        %mul3A_134 = arith.constant 16 : i32
        %mul3A_135 = arith.muli %scan3A_22, %mul3A_134 : i32
        %add3A_136 = arith.constant 1 : i32
        %add3A_137 = arith.addi %mul3A_135, %add3A_136 : i32
        %jit3A = arith.constant 14 : i32
        %div3A = arith.divsi %add3A_137, %jit3A : i32
        %sign3A = arith.constant 0 : i32
        %sign3A_138 = arith.cmpi sgt, %add3A_137, %sign3A : i32
        %sign3A_139 = arith.extui %sign3A_138 : i1 to i32
        %sign3A_140 = arith.constant 0 : i32
        %sign3A_141 = arith.cmpi slt, %add3A_137, %sign3A_140 : i32
        %sign3A_142 = arith.extui %sign3A_141 : i1 to i32
        %sign3A_143 = arith.subi %sign3A_139, %sign3A_142 : i32
        %sign3A_144 = arith.constant 0 : i32
        %sign3A_145 = arith.cmpi sgt, %jit3A, %sign3A_144 : i32
        %sign3A_146 = arith.extui %sign3A_145 : i1 to i32
        %sign3A_147 = arith.constant 0 : i32
        %sign3A_148 = arith.cmpi slt, %jit3A, %sign3A_147 : i32
        %sign3A_149 = arith.extui %sign3A_148 : i1 to i32
        %sign3A_150 = arith.subi %sign3A_146, %sign3A_149 : i32
        %ne3A = arith.cmpi ne, %sign3A_143, %sign3A_150 : i32
        %rem3A = arith.remsi %add3A_137, %jit3A : i32
        %ne3A_151 = arith.constant 0 : i32
        %ne3A_152 = arith.cmpi ne, %rem3A, %ne3A_151 : i32
        %and3A = arith.andi %ne3A, %ne3A_152 : i1
        %sub3A = arith.constant 1 : i32
        %sub3A_153 = arith.subi %div3A, %sub3A : i32
        %select_n3A = arith.select %and3A, %sub3A_153, %div3A : i32
        %add3A_154 = arith.addi %mul3A_2, %select_n3A : i32
        %jit3A_155 = arith.constant 14 : i32
        %eq3A_156 = arith.constant 0 : i32
        %eq3A_157 = arith.cmpi eq, %jit3A_155, %eq3A_156 : i32
        %jit3A_158 = arith.constant 1 : i32
        %select_n3A_159 = arith.select %eq3A_157, %jit3A_158, %jit3A_155 : i32
        %rem3A_160 = arith.remsi %add3A_137, %select_n3A_159 : i32
        %ne3A_161 = arith.constant 0 : i32
        %ne3A_162 = arith.cmpi ne, %rem3A_160, %ne3A_161 : i32
        %lt3A = arith.constant 0 : i32
        %lt3A_163 = arith.cmpi slt, %rem3A_160, %lt3A : i32
        %lt3A_164 = arith.constant 0 : i32
        %lt3A_165 = arith.cmpi slt, %select_n3A_159, %lt3A_164 : i32
        %ne3A_166 = arith.xori %lt3A_163, %lt3A_165 : i1
        %and3A_167 = arith.andi %ne3A_166, %ne3A_162 : i1
        %add3A_168 = arith.addi %rem3A_160, %select_n3A_159 : i32
        %select_n3A_169 = arith.select %and3A_167, %add3A_168, %rem3A_160 : i32
        "tpu.region"() ({
          %run_scoped3A = tpu.sem_alloc : memref<!tpu.dma_semaphore, #tpu.memory_space<semaphore_mem>>
          %dma_start3A = arith.constant 0 : i32
          %dma_start3A_170 = tpu.memref_slice %arg5[%select_n3A_169, %add3A_154, %dma_start3A] : memref<14x16384x1024xf32, #tpu.memory_space<hbm>> -> memref<1x1x1024xf32, #tpu.memory_space<hbm>>
          %dma_start3A_171 = arith.constant 0 : i32
          %dma_start3A_172 = tpu.memref_slice %arg5[%select_n3A_169, %add3A_154, %dma_start3A_171] : memref<14x16384x1024xf32, #tpu.memory_space<hbm>> -> memref<1x1x1024xf32, #tpu.memory_space<hbm>>
          tpu.enqueue_dma source(%arg7 : memref<1x1x1024xf32, #tpu.memory_space<vmem>>) target(%dma_start3A_172 : memref<1x1x1024xf32, #tpu.memory_space<hbm>>) target_semaphore(%run_scoped3A : memref<!tpu.dma_semaphore, #tpu.memory_space<semaphore_mem>>)
          %dma_wait3A = arith.constant 0 : i32
          %dma_wait3A_173 = tpu.memref_slice %arg5[%select_n3A_169, %add3A_154, %dma_wait3A] : memref<14x16384x1024xf32, #tpu.memory_space<hbm>> -> memref<1x1x1024xf32, #tpu.memory_space<hbm>>
          %dma_wait3A_174 = arith.constant 0 : i32
          %dma_wait3A_175 = tpu.memref_slice %arg5[%select_n3A_169, %add3A_154, %dma_wait3A_174] : memref<14x16384x1024xf32, #tpu.memory_space<hbm>> -> memref<1x1x1024xf32, #tpu.memory_space<hbm>>
          tpu.wait_dma2 semaphore(%run_scoped3A : memref<!tpu.dma_semaphore, #tpu.memory_space<semaphore_mem>>) src(%arg7 : memref<1x1x1024xf32, #tpu.memory_space<vmem>>) dst(%dma_wait3A_175 : memref<1x1x1024xf32, #tpu.memory_space<hbm>>)
          tpu.yield
        }) : () -> ()
      } else {
      }
      %slice3A_36 = vector.extract_strided_slice %get3A_26 {offsets = [2], sizes = [1], strides = [1]} : vector<16xi32> to vector<1xi32>
      %squeeze3A_37 = vector.extract %slice3A_36[0] : i32 from vector<1xi32>
      %eq3A_38 = arith.constant 0 : i32
      %eq3A_39 = arith.cmpi eq, %squeeze3A_37, %eq3A_38 : i32
      %convert_element_type3A_40 = arith.extui %eq3A_39 : i1 to i32
      %cond3A_41 = arith.constant 0 : i32
      %cond3A_42 = arith.cmpi ne, %convert_element_type3A_40, %cond3A_41 : i32
      scf.if %cond3A_42 {
        %mul3A_134 = arith.constant 16 : i32
        %mul3A_135 = arith.muli %scan3A_22, %mul3A_134 : i32
        %add3A_136 = arith.constant 2 : i32
        %add3A_137 = arith.addi %mul3A_135, %add3A_136 : i32
        %jit3A = arith.constant 14 : i32
        %div3A = arith.divsi %add3A_137, %jit3A : i32
        %sign3A = arith.constant 0 : i32
        %sign3A_138 = arith.cmpi sgt, %add3A_137, %sign3A : i32
        %sign3A_139 = arith.extui %sign3A_138 : i1 to i32
        %sign3A_140 = arith.constant 0 : i32
        %sign3A_141 = arith.cmpi slt, %add3A_137, %sign3A_140 : i32
        %sign3A_142 = arith.extui %sign3A_141 : i1 to i32
        %sign3A_143 = arith.subi %sign3A_139, %sign3A_142 : i32
        %sign3A_144 = arith.constant 0 : i32
        %sign3A_145 = arith.cmpi sgt, %jit3A, %sign3A_144 : i32
        %sign3A_146 = arith.extui %sign3A_145 : i1 to i32
        %sign3A_147 = arith.constant 0 : i32
        %sign3A_148 = arith.cmpi slt, %jit3A, %sign3A_147 : i32
        %sign3A_149 = arith.extui %sign3A_148 : i1 to i32
        %sign3A_150 = arith.subi %sign3A_146, %sign3A_149 : i32
        %ne3A = arith.cmpi ne, %sign3A_143, %sign3A_150 : i32
        %rem3A = arith.remsi %add3A_137, %jit3A : i32
        %ne3A_151 = arith.constant 0 : i32
        %ne3A_152 = arith.cmpi ne, %rem3A, %ne3A_151 : i32
        %and3A = arith.andi %ne3A, %ne3A_152 : i1
        %sub3A = arith.constant 1 : i32
        %sub3A_153 = arith.subi %div3A, %sub3A : i32
        %select_n3A = arith.select %and3A, %sub3A_153, %div3A : i32
        %add3A_154 = arith.addi %mul3A_2, %select_n3A : i32
        %jit3A_155 = arith.constant 14 : i32
        %eq3A_156 = arith.constant 0 : i32
        %eq3A_157 = arith.cmpi eq, %jit3A_155, %eq3A_156 : i32
        %jit3A_158 = arith.constant 1 : i32
        %select_n3A_159 = arith.select %eq3A_157, %jit3A_158, %jit3A_155 : i32
        %rem3A_160 = arith.remsi %add3A_137, %select_n3A_159 : i32
        %ne3A_161 = arith.constant 0 : i32
        %ne3A_162 = arith.cmpi ne, %rem3A_160, %ne3A_161 : i32
        %lt3A = arith.constant 0 : i32
        %lt3A_163 = arith.cmpi slt, %rem3A_160, %lt3A : i32
        %lt3A_164 = arith.constant 0 : i32
        %lt3A_165 = arith.cmpi slt, %select_n3A_159, %lt3A_164 : i32
        %ne3A_166 = arith.xori %lt3A_163, %lt3A_165 : i1
        %and3A_167 = arith.andi %ne3A_166, %ne3A_162 : i1
        %add3A_168 = arith.addi %rem3A_160, %select_n3A_159 : i32
        %select_n3A_169 = arith.select %and3A_167, %add3A_168, %rem3A_160 : i32
        "tpu.region"() ({
          %run_scoped3A = tpu.sem_alloc : memref<!tpu.dma_semaphore, #tpu.memory_space<semaphore_mem>>
          %dma_start3A = arith.constant 0 : i32
          %dma_start3A_170 = tpu.memref_slice %arg5[%select_n3A_169, %add3A_154, %dma_start3A] : memref<14x16384x1024xf32, #tpu.memory_space<hbm>> -> memref<1x1x1024xf32, #tpu.memory_space<hbm>>
          %dma_start3A_171 = arith.constant 0 : i32
          %dma_start3A_172 = tpu.memref_slice %arg5[%select_n3A_169, %add3A_154, %dma_start3A_171] : memref<14x16384x1024xf32, #tpu.memory_space<hbm>> -> memref<1x1x1024xf32, #tpu.memory_space<hbm>>
          tpu.enqueue_dma source(%arg7 : memref<1x1x1024xf32, #tpu.memory_space<vmem>>) target(%dma_start3A_172 : memref<1x1x1024xf32, #tpu.memory_space<hbm>>) target_semaphore(%run_scoped3A : memref<!tpu.dma_semaphore, #tpu.memory_space<semaphore_mem>>)
          %dma_wait3A = arith.constant 0 : i32
          %dma_wait3A_173 = tpu.memref_slice %arg5[%select_n3A_169, %add3A_154, %dma_wait3A] : memref<14x16384x1024xf32, #tpu.memory_space<hbm>> -> memref<1x1x1024xf32, #tpu.memory_space<hbm>>
          %dma_wait3A_174 = arith.constant 0 : i32
          %dma_wait3A_175 = tpu.memref_slice %arg5[%select_n3A_169, %add3A_154, %dma_wait3A_174] : memref<14x16384x1024xf32, #tpu.memory_space<hbm>> -> memref<1x1x1024xf32, #tpu.memory_space<hbm>>
          tpu.wait_dma2 semaphore(%run_scoped3A : memref<!tpu.dma_semaphore, #tpu.memory_space<semaphore_mem>>) src(%arg7 : memref<1x1x1024xf32, #tpu.memory_space<vmem>>) dst(%dma_wait3A_175 : memref<1x1x1024xf32, #tpu.memory_space<hbm>>)
          tpu.yield
        }) : () -> ()
      } else {
      }
      %slice3A_43 = vector.extract_strided_slice %get3A_26 {offsets = [3], sizes = [1], strides = [1]} : vector<16xi32> to vector<1xi32>
      %squeeze3A_44 = vector.extract %slice3A_43[0] : i32 from vector<1xi32>
      %eq3A_45 = arith.constant 0 : i32
      %eq3A_46 = arith.cmpi eq, %squeeze3A_44, %eq3A_45 : i32
      %convert_element_type3A_47 = arith.extui %eq3A_46 : i1 to i32
      %cond3A_48 = arith.constant 0 : i32
      %cond3A_49 = arith.cmpi ne, %convert_element_type3A_47, %cond3A_48 : i32
      scf.if %cond3A_49 {
        %mul3A_134 = arith.constant 16 : i32
        %mul3A_135 = arith.muli %scan3A_22, %mul3A_134 : i32
        %add3A_136 = arith.constant 3 : i32
        %add3A_137 = arith.addi %mul3A_135, %add3A_136 : i32
        %jit3A = arith.constant 14 : i32
        %div3A = arith.divsi %add3A_137, %jit3A : i32
        %sign3A = arith.constant 0 : i32
        %sign3A_138 = arith.cmpi sgt, %add3A_137, %sign3A : i32
        %sign3A_139 = arith.extui %sign3A_138 : i1 to i32
        %sign3A_140 = arith.constant 0 : i32
        %sign3A_141 = arith.cmpi slt, %add3A_137, %sign3A_140 : i32
        %sign3A_142 = arith.extui %sign3A_141 : i1 to i32
        %sign3A_143 = arith.subi %sign3A_139, %sign3A_142 : i32
        %sign3A_144 = arith.constant 0 : i32
        %sign3A_145 = arith.cmpi sgt, %jit3A, %sign3A_144 : i32
        %sign3A_146 = arith.extui %sign3A_145 : i1 to i32
        %sign3A_147 = arith.constant 0 : i32
        %sign3A_148 = arith.cmpi slt, %jit3A, %sign3A_147 : i32
        %sign3A_149 = arith.extui %sign3A_148 : i1 to i32
        %sign3A_150 = arith.subi %sign3A_146, %sign3A_149 : i32
        %ne3A = arith.cmpi ne, %sign3A_143, %sign3A_150 : i32
        %rem3A = arith.remsi %add3A_137, %jit3A : i32
        %ne3A_151 = arith.constant 0 : i32
        %ne3A_152 = arith.cmpi ne, %rem3A, %ne3A_151 : i32
        %and3A = arith.andi %ne3A, %ne3A_152 : i1
        %sub3A = arith.constant 1 : i32
        %sub3A_153 = arith.subi %div3A, %sub3A : i32
        %select_n3A = arith.select %and3A, %sub3A_153, %div3A : i32
        %add3A_154 = arith.addi %mul3A_2, %select_n3A : i32
        %jit3A_155 = arith.constant 14 : i32
        %eq3A_156 = arith.constant 0 : i32
        %eq3A_157 = arith.cmpi eq, %jit3A_155, %eq3A_156 : i32
        %jit3A_158 = arith.constant 1 : i32
        %select_n3A_159 = arith.select %eq3A_157, %jit3A_158, %jit3A_155 : i32
        %rem3A_160 = arith.remsi %add3A_137, %select_n3A_159 : i32
        %ne3A_161 = arith.constant 0 : i32
        %ne3A_162 = arith.cmpi ne, %rem3A_160, %ne3A_161 : i32
        %lt3A = arith.constant 0 : i32
        %lt3A_163 = arith.cmpi slt, %rem3A_160, %lt3A : i32
        %lt3A_164 = arith.constant 0 : i32
        %lt3A_165 = arith.cmpi slt, %select_n3A_159, %lt3A_164 : i32
        %ne3A_166 = arith.xori %lt3A_163, %lt3A_165 : i1
        %and3A_167 = arith.andi %ne3A_166, %ne3A_162 : i1
        %add3A_168 = arith.addi %rem3A_160, %select_n3A_159 : i32
        %select_n3A_169 = arith.select %and3A_167, %add3A_168, %rem3A_160 : i32
        "tpu.region"() ({
          %run_scoped3A = tpu.sem_alloc : memref<!tpu.dma_semaphore, #tpu.memory_space<semaphore_mem>>
          %dma_start3A = arith.constant 0 : i32
          %dma_start3A_170 = tpu.memref_slice %arg5[%select_n3A_169, %add3A_154, %dma_start3A] : memref<14x16384x1024xf32, #tpu.memory_space<hbm>> -> memref<1x1x1024xf32, #tpu.memory_space<hbm>>
          %dma_start3A_171 = arith.constant 0 : i32
          %dma_start3A_172 = tpu.memref_slice %arg5[%select_n3A_169, %add3A_154, %dma_start3A_171] : memref<14x16384x1024xf32, #tpu.memory_space<hbm>> -> memref<1x1x1024xf32, #tpu.memory_space<hbm>>
          tpu.enqueue_dma source(%arg7 : memref<1x1x1024xf32, #tpu.memory_space<vmem>>) target(%dma_start3A_172 : memref<1x1x1024xf32, #tpu.memory_space<hbm>>) target_semaphore(%run_scoped3A : memref<!tpu.dma_semaphore, #tpu.memory_space<semaphore_mem>>)
          %dma_wait3A = arith.constant 0 : i32
          %dma_wait3A_173 = tpu.memref_slice %arg5[%select_n3A_169, %add3A_154, %dma_wait3A] : memref<14x16384x1024xf32, #tpu.memory_space<hbm>> -> memref<1x1x1024xf32, #tpu.memory_space<hbm>>
          %dma_wait3A_174 = arith.constant 0 : i32
          %dma_wait3A_175 = tpu.memref_slice %arg5[%select_n3A_169, %add3A_154, %dma_wait3A_174] : memref<14x16384x1024xf32, #tpu.memory_space<hbm>> -> memref<1x1x1024xf32, #tpu.memory_space<hbm>>
          tpu.wait_dma2 semaphore(%run_scoped3A : memref<!tpu.dma_semaphore, #tpu.memory_space<semaphore_mem>>) src(%arg7 : memref<1x1x1024xf32, #tpu.memory_space<vmem>>) dst(%dma_wait3A_175 : memref<1x1x1024xf32, #tpu.memory_space<hbm>>)
          tpu.yield
        }) : () -> ()
      } else {
      }
      %slice3A_50 = vector.extract_strided_slice %get3A_26 {offsets = [4], sizes = [1], strides = [1]} : vector<16xi32> to vector<1xi32>
      %squeeze3A_51 = vector.extract %slice3A_50[0] : i32 from vector<1xi32>
      %eq3A_52 = arith.constant 0 : i32
      %eq3A_53 = arith.cmpi eq, %squeeze3A_51, %eq3A_52 : i32
      %convert_element_type3A_54 = arith.extui %eq3A_53 : i1 to i32
      %cond3A_55 = arith.constant 0 : i32
      %cond3A_56 = arith.cmpi ne, %convert_element_type3A_54, %cond3A_55 : i32
      scf.if %cond3A_56 {
        %mul3A_134 = arith.constant 16 : i32
        %mul3A_135 = arith.muli %scan3A_22, %mul3A_134 : i32
        %add3A_136 = arith.constant 4 : i32
        %add3A_137 = arith.addi %mul3A_135, %add3A_136 : i32
        %jit3A = arith.constant 14 : i32
        %div3A = arith.divsi %add3A_137, %jit3A : i32
        %sign3A = arith.constant 0 : i32
        %sign3A_138 = arith.cmpi sgt, %add3A_137, %sign3A : i32
        %sign3A_139 = arith.extui %sign3A_138 : i1 to i32
        %sign3A_140 = arith.constant 0 : i32
        %sign3A_141 = arith.cmpi slt, %add3A_137, %sign3A_140 : i32
        %sign3A_142 = arith.extui %sign3A_141 : i1 to i32
        %sign3A_143 = arith.subi %sign3A_139, %sign3A_142 : i32
        %sign3A_144 = arith.constant 0 : i32
        %sign3A_145 = arith.cmpi sgt, %jit3A, %sign3A_144 : i32
        %sign3A_146 = arith.extui %sign3A_145 : i1 to i32
        %sign3A_147 = arith.constant 0 : i32
        %sign3A_148 = arith.cmpi slt, %jit3A, %sign3A_147 : i32
        %sign3A_149 = arith.extui %sign3A_148 : i1 to i32
        %sign3A_150 = arith.subi %sign3A_146, %sign3A_149 : i32
        %ne3A = arith.cmpi ne, %sign3A_143, %sign3A_150 : i32
        %rem3A = arith.remsi %add3A_137, %jit3A : i32
        %ne3A_151 = arith.constant 0 : i32
        %ne3A_152 = arith.cmpi ne, %rem3A, %ne3A_151 : i32
        %and3A = arith.andi %ne3A, %ne3A_152 : i1
        %sub3A = arith.constant 1 : i32
        %sub3A_153 = arith.subi %div3A, %sub3A : i32
        %select_n3A = arith.select %and3A, %sub3A_153, %div3A : i32
        %add3A_154 = arith.addi %mul3A_2, %select_n3A : i32
        %jit3A_155 = arith.constant 14 : i32
        %eq3A_156 = arith.constant 0 : i32
        %eq3A_157 = arith.cmpi eq, %jit3A_155, %eq3A_156 : i32
        %jit3A_158 = arith.constant 1 : i32
        %select_n3A_159 = arith.select %eq3A_157, %jit3A_158, %jit3A_155 : i32
        %rem3A_160 = arith.remsi %add3A_137, %select_n3A_159 : i32
        %ne3A_161 = arith.constant 0 : i32
        %ne3A_162 = arith.cmpi ne, %rem3A_160, %ne3A_161 : i32
        %lt3A = arith.constant 0 : i32
        %lt3A_163 = arith.cmpi slt, %rem3A_160, %lt3A : i32
        %lt3A_164 = arith.constant 0 : i32
        %lt3A_165 = arith.cmpi slt, %select_n3A_159, %lt3A_164 : i32
        %ne3A_166 = arith.xori %lt3A_163, %lt3A_165 : i1
        %and3A_167 = arith.andi %ne3A_166, %ne3A_162 : i1
        %add3A_168 = arith.addi %rem3A_160, %select_n3A_159 : i32
        %select_n3A_169 = arith.select %and3A_167, %add3A_168, %rem3A_160 : i32
        "tpu.region"() ({
          %run_scoped3A = tpu.sem_alloc : memref<!tpu.dma_semaphore, #tpu.memory_space<semaphore_mem>>
          %dma_start3A = arith.constant 0 : i32
          %dma_start3A_170 = tpu.memref_slice %arg5[%select_n3A_169, %add3A_154, %dma_start3A] : memref<14x16384x1024xf32, #tpu.memory_space<hbm>> -> memref<1x1x1024xf32, #tpu.memory_space<hbm>>
          %dma_start3A_171 = arith.constant 0 : i32
          %dma_start3A_172 = tpu.memref_slice %arg5[%select_n3A_169, %add3A_154, %dma_start3A_171] : memref<14x16384x1024xf32, #tpu.memory_space<hbm>> -> memref<1x1x1024xf32, #tpu.memory_space<hbm>>
          tpu.enqueue_dma source(%arg7 : memref<1x1x1024xf32, #tpu.memory_space<vmem>>) target(%dma_start3A_172 : memref<1x1x1024xf32, #tpu.memory_space<hbm>>) target_semaphore(%run_scoped3A : memref<!tpu.dma_semaphore, #tpu.memory_space<semaphore_mem>>)
          %dma_wait3A = arith.constant 0 : i32
          %dma_wait3A_173 = tpu.memref_slice %arg5[%select_n3A_169, %add3A_154, %dma_wait3A] : memref<14x16384x1024xf32, #tpu.memory_space<hbm>> -> memref<1x1x1024xf32, #tpu.memory_space<hbm>>
          %dma_wait3A_174 = arith.constant 0 : i32
          %dma_wait3A_175 = tpu.memref_slice %arg5[%select_n3A_169, %add3A_154, %dma_wait3A_174] : memref<14x16384x1024xf32, #tpu.memory_space<hbm>> -> memref<1x1x1024xf32, #tpu.memory_space<hbm>>
          tpu.wait_dma2 semaphore(%run_scoped3A : memref<!tpu.dma_semaphore, #tpu.memory_space<semaphore_mem>>) src(%arg7 : memref<1x1x1024xf32, #tpu.memory_space<vmem>>) dst(%dma_wait3A_175 : memref<1x1x1024xf32, #tpu.memory_space<hbm>>)
          tpu.yield
        }) : () -> ()
      } else {
      }
      %slice3A_57 = vector.extract_strided_slice %get3A_26 {offsets = [5], sizes = [1], strides = [1]} : vector<16xi32> to vector<1xi32>
      %squeeze3A_58 = vector.extract %slice3A_57[0] : i32 from vector<1xi32>
      %eq3A_59 = arith.constant 0 : i32
      %eq3A_60 = arith.cmpi eq, %squeeze3A_58, %eq3A_59 : i32
      %convert_element_type3A_61 = arith.extui %eq3A_60 : i1 to i32
      %cond3A_62 = arith.constant 0 : i32
      %cond3A_63 = arith.cmpi ne, %convert_element_type3A_61, %cond3A_62 : i32
      scf.if %cond3A_63 {
        %mul3A_134 = arith.constant 16 : i32
        %mul3A_135 = arith.muli %scan3A_22, %mul3A_134 : i32
        %add3A_136 = arith.constant 5 : i32
        %add3A_137 = arith.addi %mul3A_135, %add3A_136 : i32
        %jit3A = arith.constant 14 : i32
        %div3A = arith.divsi %add3A_137, %jit3A : i32
        %sign3A = arith.constant 0 : i32
        %sign3A_138 = arith.cmpi sgt, %add3A_137, %sign3A : i32
        %sign3A_139 = arith.extui %sign3A_138 : i1 to i32
        %sign3A_140 = arith.constant 0 : i32
        %sign3A_141 = arith.cmpi slt, %add3A_137, %sign3A_140 : i32
        %sign3A_142 = arith.extui %sign3A_141 : i1 to i32
        %sign3A_143 = arith.subi %sign3A_139, %sign3A_142 : i32
        %sign3A_144 = arith.constant 0 : i32
        %sign3A_145 = arith.cmpi sgt, %jit3A, %sign3A_144 : i32
        %sign3A_146 = arith.extui %sign3A_145 : i1 to i32
        %sign3A_147 = arith.constant 0 : i32
        %sign3A_148 = arith.cmpi slt, %jit3A, %sign3A_147 : i32
        %sign3A_149 = arith.extui %sign3A_148 : i1 to i32
        %sign3A_150 = arith.subi %sign3A_146, %sign3A_149 : i32
        %ne3A = arith.cmpi ne, %sign3A_143, %sign3A_150 : i32
        %rem3A = arith.remsi %add3A_137, %jit3A : i32
        %ne3A_151 = arith.constant 0 : i32
        %ne3A_152 = arith.cmpi ne, %rem3A, %ne3A_151 : i32
        %and3A = arith.andi %ne3A, %ne3A_152 : i1
        %sub3A = arith.constant 1 : i32
        %sub3A_153 = arith.subi %div3A, %sub3A : i32
        %select_n3A = arith.select %and3A, %sub3A_153, %div3A : i32
        %add3A_154 = arith.addi %mul3A_2, %select_n3A : i32
        %jit3A_155 = arith.constant 14 : i32
        %eq3A_156 = arith.constant 0 : i32
        %eq3A_157 = arith.cmpi eq, %jit3A_155, %eq3A_156 : i32
        %jit3A_158 = arith.constant 1 : i32
        %select_n3A_159 = arith.select %eq3A_157, %jit3A_158, %jit3A_155 : i32
        %rem3A_160 = arith.remsi %add3A_137, %select_n3A_159 : i32
        %ne3A_161 = arith.constant 0 : i32
        %ne3A_162 = arith.cmpi ne, %rem3A_160, %ne3A_161 : i32
        %lt3A = arith.constant 0 : i32
        %lt3A_163 = arith.cmpi slt, %rem3A_160, %lt3A : i32
        %lt3A_164 = arith.constant 0 : i32
        %lt3A_165 = arith.cmpi slt, %select_n3A_159, %lt3A_164 : i32
        %ne3A_166 = arith.xori %lt3A_163, %lt3A_165 : i1
        %and3A_167 = arith.andi %ne3A_166, %ne3A_162 : i1
        %add3A_168 = arith.addi %rem3A_160, %select_n3A_159 : i32
        %select_n3A_169 = arith.select %and3A_167, %add3A_168, %rem3A_160 : i32
        "tpu.region"() ({
          %run_scoped3A = tpu.sem_alloc : memref<!tpu.dma_semaphore, #tpu.memory_space<semaphore_mem>>
          %dma_start3A = arith.constant 0 : i32
          %dma_start3A_170 = tpu.memref_slice %arg5[%select_n3A_169, %add3A_154, %dma_start3A] : memref<14x16384x1024xf32, #tpu.memory_space<hbm>> -> memref<1x1x1024xf32, #tpu.memory_space<hbm>>
          %dma_start3A_171 = arith.constant 0 : i32
          %dma_start3A_172 = tpu.memref_slice %arg5[%select_n3A_169, %add3A_154, %dma_start3A_171] : memref<14x16384x1024xf32, #tpu.memory_space<hbm>> -> memref<1x1x1024xf32, #tpu.memory_space<hbm>>
          tpu.enqueue_dma source(%arg7 : memref<1x1x1024xf32, #tpu.memory_space<vmem>>) target(%dma_start3A_172 : memref<1x1x1024xf32, #tpu.memory_space<hbm>>) target_semaphore(%run_scoped3A : memref<!tpu.dma_semaphore, #tpu.memory_space<semaphore_mem>>)
          %dma_wait3A = arith.constant 0 : i32
          %dma_wait3A_173 = tpu.memref_slice %arg5[%select_n3A_169, %add3A_154, %dma_wait3A] : memref<14x16384x1024xf32, #tpu.memory_space<hbm>> -> memref<1x1x1024xf32, #tpu.memory_space<hbm>>
          %dma_wait3A_174 = arith.constant 0 : i32
          %dma_wait3A_175 = tpu.memref_slice %arg5[%select_n3A_169, %add3A_154, %dma_wait3A_174] : memref<14x16384x1024xf32, #tpu.memory_space<hbm>> -> memref<1x1x1024xf32, #tpu.memory_space<hbm>>
          tpu.wait_dma2 semaphore(%run_scoped3A : memref<!tpu.dma_semaphore, #tpu.memory_space<semaphore_mem>>) src(%arg7 : memref<1x1x1024xf32, #tpu.memory_space<vmem>>) dst(%dma_wait3A_175 : memref<1x1x1024xf32, #tpu.memory_space<hbm>>)
          tpu.yield
        }) : () -> ()
      } else {
      }
      %slice3A_64 = vector.extract_strided_slice %get3A_26 {offsets = [6], sizes = [1], strides = [1]} : vector<16xi32> to vector<1xi32>
      %squeeze3A_65 = vector.extract %slice3A_64[0] : i32 from vector<1xi32>
      %eq3A_66 = arith.constant 0 : i32
      %eq3A_67 = arith.cmpi eq, %squeeze3A_65, %eq3A_66 : i32
      %convert_element_type3A_68 = arith.extui %eq3A_67 : i1 to i32
      %cond3A_69 = arith.constant 0 : i32
      %cond3A_70 = arith.cmpi ne, %convert_element_type3A_68, %cond3A_69 : i32
      scf.if %cond3A_70 {
        %mul3A_134 = arith.constant 16 : i32
        %mul3A_135 = arith.muli %scan3A_22, %mul3A_134 : i32
        %add3A_136 = arith.constant 6 : i32
        %add3A_137 = arith.addi %mul3A_135, %add3A_136 : i32
        %jit3A = arith.constant 14 : i32
        %div3A = arith.divsi %add3A_137, %jit3A : i32
        %sign3A = arith.constant 0 : i32
        %sign3A_138 = arith.cmpi sgt, %add3A_137, %sign3A : i32
        %sign3A_139 = arith.extui %sign3A_138 : i1 to i32
        %sign3A_140 = arith.constant 0 : i32
        %sign3A_141 = arith.cmpi slt, %add3A_137, %sign3A_140 : i32
        %sign3A_142 = arith.extui %sign3A_141 : i1 to i32
        %sign3A_143 = arith.subi %sign3A_139, %sign3A_142 : i32
        %sign3A_144 = arith.constant 0 : i32
        %sign3A_145 = arith.cmpi sgt, %jit3A, %sign3A_144 : i32
        %sign3A_146 = arith.extui %sign3A_145 : i1 to i32
        %sign3A_147 = arith.constant 0 : i32
        %sign3A_148 = arith.cmpi slt, %jit3A, %sign3A_147 : i32
        %sign3A_149 = arith.extui %sign3A_148 : i1 to i32
        %sign3A_150 = arith.subi %sign3A_146, %sign3A_149 : i32
        %ne3A = arith.cmpi ne, %sign3A_143, %sign3A_150 : i32
        %rem3A = arith.remsi %add3A_137, %jit3A : i32
        %ne3A_151 = arith.constant 0 : i32
        %ne3A_152 = arith.cmpi ne, %rem3A, %ne3A_151 : i32
        %and3A = arith.andi %ne3A, %ne3A_152 : i1
        %sub3A = arith.constant 1 : i32
        %sub3A_153 = arith.subi %div3A, %sub3A : i32
        %select_n3A = arith.select %and3A, %sub3A_153, %div3A : i32
        %add3A_154 = arith.addi %mul3A_2, %select_n3A : i32
        %jit3A_155 = arith.constant 14 : i32
        %eq3A_156 = arith.constant 0 : i32
        %eq3A_157 = arith.cmpi eq, %jit3A_155, %eq3A_156 : i32
        %jit3A_158 = arith.constant 1 : i32
        %select_n3A_159 = arith.select %eq3A_157, %jit3A_158, %jit3A_155 : i32
        %rem3A_160 = arith.remsi %add3A_137, %select_n3A_159 : i32
        %ne3A_161 = arith.constant 0 : i32
        %ne3A_162 = arith.cmpi ne, %rem3A_160, %ne3A_161 : i32
        %lt3A = arith.constant 0 : i32
        %lt3A_163 = arith.cmpi slt, %rem3A_160, %lt3A : i32
        %lt3A_164 = arith.constant 0 : i32
        %lt3A_165 = arith.cmpi slt, %select_n3A_159, %lt3A_164 : i32
        %ne3A_166 = arith.xori %lt3A_163, %lt3A_165 : i1
        %and3A_167 = arith.andi %ne3A_166, %ne3A_162 : i1
        %add3A_168 = arith.addi %rem3A_160, %select_n3A_159 : i32
        %select_n3A_169 = arith.select %and3A_167, %add3A_168, %rem3A_160 : i32
        "tpu.region"() ({
          %run_scoped3A = tpu.sem_alloc : memref<!tpu.dma_semaphore, #tpu.memory_space<semaphore_mem>>
          %dma_start3A = arith.constant 0 : i32
          %dma_start3A_170 = tpu.memref_slice %arg5[%select_n3A_169, %add3A_154, %dma_start3A] : memref<14x16384x1024xf32, #tpu.memory_space<hbm>> -> memref<1x1x1024xf32, #tpu.memory_space<hbm>>
          %dma_start3A_171 = arith.constant 0 : i32
          %dma_start3A_172 = tpu.memref_slice %arg5[%select_n3A_169, %add3A_154, %dma_start3A_171] : memref<14x16384x1024xf32, #tpu.memory_space<hbm>> -> memref<1x1x1024xf32, #tpu.memory_space<hbm>>
          tpu.enqueue_dma source(%arg7 : memref<1x1x1024xf32, #tpu.memory_space<vmem>>) target(%dma_start3A_172 : memref<1x1x1024xf32, #tpu.memory_space<hbm>>) target_semaphore(%run_scoped3A : memref<!tpu.dma_semaphore, #tpu.memory_space<semaphore_mem>>)
          %dma_wait3A = arith.constant 0 : i32
          %dma_wait3A_173 = tpu.memref_slice %arg5[%select_n3A_169, %add3A_154, %dma_wait3A] : memref<14x16384x1024xf32, #tpu.memory_space<hbm>> -> memref<1x1x1024xf32, #tpu.memory_space<hbm>>
          %dma_wait3A_174 = arith.constant 0 : i32
          %dma_wait3A_175 = tpu.memref_slice %arg5[%select_n3A_169, %add3A_154, %dma_wait3A_174] : memref<14x16384x1024xf32, #tpu.memory_space<hbm>> -> memref<1x1x1024xf32, #tpu.memory_space<hbm>>
          tpu.wait_dma2 semaphore(%run_scoped3A : memref<!tpu.dma_semaphore, #tpu.memory_space<semaphore_mem>>) src(%arg7 : memref<1x1x1024xf32, #tpu.memory_space<vmem>>) dst(%dma_wait3A_175 : memref<1x1x1024xf32, #tpu.memory_space<hbm>>)
          tpu.yield
        }) : () -> ()
      } else {
      }
      %slice3A_71 = vector.extract_strided_slice %get3A_26 {offsets = [7], sizes = [1], strides = [1]} : vector<16xi32> to vector<1xi32>
      %squeeze3A_72 = vector.extract %slice3A_71[0] : i32 from vector<1xi32>
      %eq3A_73 = arith.constant 0 : i32
      %eq3A_74 = arith.cmpi eq, %squeeze3A_72, %eq3A_73 : i32
      %convert_element_type3A_75 = arith.extui %eq3A_74 : i1 to i32
      %cond3A_76 = arith.constant 0 : i32
      %cond3A_77 = arith.cmpi ne, %convert_element_type3A_75, %cond3A_76 : i32
      scf.if %cond3A_77 {
        %mul3A_134 = arith.constant 16 : i32
        %mul3A_135 = arith.muli %scan3A_22, %mul3A_134 : i32
        %add3A_136 = arith.constant 7 : i32
        %add3A_137 = arith.addi %mul3A_135, %add3A_136 : i32
        %jit3A = arith.constant 14 : i32
        %div3A = arith.divsi %add3A_137, %jit3A : i32
        %sign3A = arith.constant 0 : i32
        %sign3A_138 = arith.cmpi sgt, %add3A_137, %sign3A : i32
        %sign3A_139 = arith.extui %sign3A_138 : i1 to i32
        %sign3A_140 = arith.constant 0 : i32
        %sign3A_141 = arith.cmpi slt, %add3A_137, %sign3A_140 : i32
        %sign3A_142 = arith.extui %sign3A_141 : i1 to i32
        %sign3A_143 = arith.subi %sign3A_139, %sign3A_142 : i32
        %sign3A_144 = arith.constant 0 : i32
        %sign3A_145 = arith.cmpi sgt, %jit3A, %sign3A_144 : i32
        %sign3A_146 = arith.extui %sign3A_145 : i1 to i32
        %sign3A_147 = arith.constant 0 : i32
        %sign3A_148 = arith.cmpi slt, %jit3A, %sign3A_147 : i32
        %sign3A_149 = arith.extui %sign3A_148 : i1 to i32
        %sign3A_150 = arith.subi %sign3A_146, %sign3A_149 : i32
        %ne3A = arith.cmpi ne, %sign3A_143, %sign3A_150 : i32
        %rem3A = arith.remsi %add3A_137, %jit3A : i32
        %ne3A_151 = arith.constant 0 : i32
        %ne3A_152 = arith.cmpi ne, %rem3A, %ne3A_151 : i32
        %and3A = arith.andi %ne3A, %ne3A_152 : i1
        %sub3A = arith.constant 1 : i32
        %sub3A_153 = arith.subi %div3A, %sub3A : i32
        %select_n3A = arith.select %and3A, %sub3A_153, %div3A : i32
        %add3A_154 = arith.addi %mul3A_2, %select_n3A : i32
        %jit3A_155 = arith.constant 14 : i32
        %eq3A_156 = arith.constant 0 : i32
        %eq3A_157 = arith.cmpi eq, %jit3A_155, %eq3A_156 : i32
        %jit3A_158 = arith.constant 1 : i32
        %select_n3A_159 = arith.select %eq3A_157, %jit3A_158, %jit3A_155 : i32
        %rem3A_160 = arith.remsi %add3A_137, %select_n3A_159 : i32
        %ne3A_161 = arith.constant 0 : i32
        %ne3A_162 = arith.cmpi ne, %rem3A_160, %ne3A_161 : i32
        %lt3A = arith.constant 0 : i32
        %lt3A_163 = arith.cmpi slt, %rem3A_160, %lt3A : i32
        %lt3A_164 = arith.constant 0 : i32
        %lt3A_165 = arith.cmpi slt, %select_n3A_159, %lt3A_164 : i32
        %ne3A_166 = arith.xori %lt3A_163, %lt3A_165 : i1
        %and3A_167 = arith.andi %ne3A_166, %ne3A_162 : i1
        %add3A_168 = arith.addi %rem3A_160, %select_n3A_159 : i32
        %select_n3A_169 = arith.select %and3A_167, %add3A_168, %rem3A_160 : i32
        "tpu.region"() ({
          %run_scoped3A = tpu.sem_alloc : memref<!tpu.dma_semaphore, #tpu.memory_space<semaphore_mem>>
          %dma_start3A = arith.constant 0 : i32
          %dma_start3A_170 = tpu.memref_slice %arg5[%select_n3A_169, %add3A_154, %dma_start3A] : memref<14x16384x1024xf32, #tpu.memory_space<hbm>> -> memref<1x1x1024xf32, #tpu.memory_space<hbm>>
          %dma_start3A_171 = arith.constant 0 : i32
          %dma_start3A_172 = tpu.memref_slice %arg5[%select_n3A_169, %add3A_154, %dma_start3A_171] : memref<14x16384x1024xf32, #tpu.memory_space<hbm>> -> memref<1x1x1024xf32, #tpu.memory_space<hbm>>
          tpu.enqueue_dma source(%arg7 : memref<1x1x1024xf32, #tpu.memory_space<vmem>>) target(%dma_start3A_172 : memref<1x1x1024xf32, #tpu.memory_space<hbm>>) target_semaphore(%run_scoped3A : memref<!tpu.dma_semaphore, #tpu.memory_space<semaphore_mem>>)
          %dma_wait3A = arith.constant 0 : i32
          %dma_wait3A_173 = tpu.memref_slice %arg5[%select_n3A_169, %add3A_154, %dma_wait3A] : memref<14x16384x1024xf32, #tpu.memory_space<hbm>> -> memref<1x1x1024xf32, #tpu.memory_space<hbm>>
          %dma_wait3A_174 = arith.constant 0 : i32
          %dma_wait3A_175 = tpu.memref_slice %arg5[%select_n3A_169, %add3A_154, %dma_wait3A_174] : memref<14x16384x1024xf32, #tpu.memory_space<hbm>> -> memref<1x1x1024xf32, #tpu.memory_space<hbm>>
          tpu.wait_dma2 semaphore(%run_scoped3A : memref<!tpu.dma_semaphore, #tpu.memory_space<semaphore_mem>>) src(%arg7 : memref<1x1x1024xf32, #tpu.memory_space<vmem>>) dst(%dma_wait3A_175 : memref<1x1x1024xf32, #tpu.memory_space<hbm>>)
          tpu.yield
        }) : () -> ()
      } else {
      }
      %slice3A_78 = vector.extract_strided_slice %get3A_26 {offsets = [8], sizes = [1], strides = [1]} : vector<16xi32> to vector<1xi32>
      %squeeze3A_79 = vector.extract %slice3A_78[0] : i32 from vector<1xi32>
      %eq3A_80 = arith.constant 0 : i32
      %eq3A_81 = arith.cmpi eq, %squeeze3A_79, %eq3A_80 : i32
      %convert_element_type3A_82 = arith.extui %eq3A_81 : i1 to i32
      %cond3A_83 = arith.constant 0 : i32
      %cond3A_84 = arith.cmpi ne, %convert_element_type3A_82, %cond3A_83 : i32
      scf.if %cond3A_84 {
        %mul3A_134 = arith.constant 16 : i32
        %mul3A_135 = arith.muli %scan3A_22, %mul3A_134 : i32
        %add3A_136 = arith.constant 8 : i32
        %add3A_137 = arith.addi %mul3A_135, %add3A_136 : i32
        %jit3A = arith.constant 14 : i32
        %div3A = arith.divsi %add3A_137, %jit3A : i32
        %sign3A = arith.constant 0 : i32
        %sign3A_138 = arith.cmpi sgt, %add3A_137, %sign3A : i32
        %sign3A_139 = arith.extui %sign3A_138 : i1 to i32
        %sign3A_140 = arith.constant 0 : i32
        %sign3A_141 = arith.cmpi slt, %add3A_137, %sign3A_140 : i32
        %sign3A_142 = arith.extui %sign3A_141 : i1 to i32
        %sign3A_143 = arith.subi %sign3A_139, %sign3A_142 : i32
        %sign3A_144 = arith.constant 0 : i32
        %sign3A_145 = arith.cmpi sgt, %jit3A, %sign3A_144 : i32
        %sign3A_146 = arith.extui %sign3A_145 : i1 to i32
        %sign3A_147 = arith.constant 0 : i32
        %sign3A_148 = arith.cmpi slt, %jit3A, %sign3A_147 : i32
        %sign3A_149 = arith.extui %sign3A_148 : i1 to i32
        %sign3A_150 = arith.subi %sign3A_146, %sign3A_149 : i32
        %ne3A = arith.cmpi ne, %sign3A_143, %sign3A_150 : i32
        %rem3A = arith.remsi %add3A_137, %jit3A : i32
        %ne3A_151 = arith.constant 0 : i32
        %ne3A_152 = arith.cmpi ne, %rem3A, %ne3A_151 : i32
        %and3A = arith.andi %ne3A, %ne3A_152 : i1
        %sub3A = arith.constant 1 : i32
        %sub3A_153 = arith.subi %div3A, %sub3A : i32
        %select_n3A = arith.select %and3A, %sub3A_153, %div3A : i32
        %add3A_154 = arith.addi %mul3A_2, %select_n3A : i32
        %jit3A_155 = arith.constant 14 : i32
        %eq3A_156 = arith.constant 0 : i32
        %eq3A_157 = arith.cmpi eq, %jit3A_155, %eq3A_156 : i32
        %jit3A_158 = arith.constant 1 : i32
        %select_n3A_159 = arith.select %eq3A_157, %jit3A_158, %jit3A_155 : i32
        %rem3A_160 = arith.remsi %add3A_137, %select_n3A_159 : i32
        %ne3A_161 = arith.constant 0 : i32
        %ne3A_162 = arith.cmpi ne, %rem3A_160, %ne3A_161 : i32
        %lt3A = arith.constant 0 : i32
        %lt3A_163 = arith.cmpi slt, %rem3A_160, %lt3A : i32
        %lt3A_164 = arith.constant 0 : i32
        %lt3A_165 = arith.cmpi slt, %select_n3A_159, %lt3A_164 : i32
        %ne3A_166 = arith.xori %lt3A_163, %lt3A_165 : i1
        %and3A_167 = arith.andi %ne3A_166, %ne3A_162 : i1
        %add3A_168 = arith.addi %rem3A_160, %select_n3A_159 : i32
        %select_n3A_169 = arith.select %and3A_167, %add3A_168, %rem3A_160 : i32
        "tpu.region"() ({
          %run_scoped3A = tpu.sem_alloc : memref<!tpu.dma_semaphore, #tpu.memory_space<semaphore_mem>>
          %dma_start3A = arith.constant 0 : i32
          %dma_start3A_170 = tpu.memref_slice %arg5[%select_n3A_169, %add3A_154, %dma_start3A] : memref<14x16384x1024xf32, #tpu.memory_space<hbm>> -> memref<1x1x1024xf32, #tpu.memory_space<hbm>>
          %dma_start3A_171 = arith.constant 0 : i32
          %dma_start3A_172 = tpu.memref_slice %arg5[%select_n3A_169, %add3A_154, %dma_start3A_171] : memref<14x16384x1024xf32, #tpu.memory_space<hbm>> -> memref<1x1x1024xf32, #tpu.memory_space<hbm>>
          tpu.enqueue_dma source(%arg7 : memref<1x1x1024xf32, #tpu.memory_space<vmem>>) target(%dma_start3A_172 : memref<1x1x1024xf32, #tpu.memory_space<hbm>>) target_semaphore(%run_scoped3A : memref<!tpu.dma_semaphore, #tpu.memory_space<semaphore_mem>>)
          %dma_wait3A = arith.constant 0 : i32
          %dma_wait3A_173 = tpu.memref_slice %arg5[%select_n3A_169, %add3A_154, %dma_wait3A] : memref<14x16384x1024xf32, #tpu.memory_space<hbm>> -> memref<1x1x1024xf32, #tpu.memory_space<hbm>>
          %dma_wait3A_174 = arith.constant 0 : i32
          %dma_wait3A_175 = tpu.memref_slice %arg5[%select_n3A_169, %add3A_154, %dma_wait3A_174] : memref<14x16384x1024xf32, #tpu.memory_space<hbm>> -> memref<1x1x1024xf32, #tpu.memory_space<hbm>>
          tpu.wait_dma2 semaphore(%run_scoped3A : memref<!tpu.dma_semaphore, #tpu.memory_space<semaphore_mem>>) src(%arg7 : memref<1x1x1024xf32, #tpu.memory_space<vmem>>) dst(%dma_wait3A_175 : memref<1x1x1024xf32, #tpu.memory_space<hbm>>)
          tpu.yield
        }) : () -> ()
      } else {
      }
      %slice3A_85 = vector.extract_strided_slice %get3A_26 {offsets = [9], sizes = [1], strides = [1]} : vector<16xi32> to vector<1xi32>
      %squeeze3A_86 = vector.extract %slice3A_85[0] : i32 from vector<1xi32>
      %eq3A_87 = arith.constant 0 : i32
      %eq3A_88 = arith.cmpi eq, %squeeze3A_86, %eq3A_87 : i32
      %convert_element_type3A_89 = arith.extui %eq3A_88 : i1 to i32
      %cond3A_90 = arith.constant 0 : i32
      %cond3A_91 = arith.cmpi ne, %convert_element_type3A_89, %cond3A_90 : i32
      scf.if %cond3A_91 {
        %mul3A_134 = arith.constant 16 : i32
        %mul3A_135 = arith.muli %scan3A_22, %mul3A_134 : i32
        %add3A_136 = arith.constant 9 : i32
        %add3A_137 = arith.addi %mul3A_135, %add3A_136 : i32
        %jit3A = arith.constant 14 : i32
        %div3A = arith.divsi %add3A_137, %jit3A : i32
        %sign3A = arith.constant 0 : i32
        %sign3A_138 = arith.cmpi sgt, %add3A_137, %sign3A : i32
        %sign3A_139 = arith.extui %sign3A_138 : i1 to i32
        %sign3A_140 = arith.constant 0 : i32
        %sign3A_141 = arith.cmpi slt, %add3A_137, %sign3A_140 : i32
        %sign3A_142 = arith.extui %sign3A_141 : i1 to i32
        %sign3A_143 = arith.subi %sign3A_139, %sign3A_142 : i32
        %sign3A_144 = arith.constant 0 : i32
        %sign3A_145 = arith.cmpi sgt, %jit3A, %sign3A_144 : i32
        %sign3A_146 = arith.extui %sign3A_145 : i1 to i32
        %sign3A_147 = arith.constant 0 : i32
        %sign3A_148 = arith.cmpi slt, %jit3A, %sign3A_147 : i32
        %sign3A_149 = arith.extui %sign3A_148 : i1 to i32
        %sign3A_150 = arith.subi %sign3A_146, %sign3A_149 : i32
        %ne3A = arith.cmpi ne, %sign3A_143, %sign3A_150 : i32
        %rem3A = arith.remsi %add3A_137, %jit3A : i32
        %ne3A_151 = arith.constant 0 : i32
        %ne3A_152 = arith.cmpi ne, %rem3A, %ne3A_151 : i32
        %and3A = arith.andi %ne3A, %ne3A_152 : i1
        %sub3A = arith.constant 1 : i32
        %sub3A_153 = arith.subi %div3A, %sub3A : i32
        %select_n3A = arith.select %and3A, %sub3A_153, %div3A : i32
        %add3A_154 = arith.addi %mul3A_2, %select_n3A : i32
        %jit3A_155 = arith.constant 14 : i32
        %eq3A_156 = arith.constant 0 : i32
        %eq3A_157 = arith.cmpi eq, %jit3A_155, %eq3A_156 : i32
        %jit3A_158 = arith.constant 1 : i32
        %select_n3A_159 = arith.select %eq3A_157, %jit3A_158, %jit3A_155 : i32
        %rem3A_160 = arith.remsi %add3A_137, %select_n3A_159 : i32
        %ne3A_161 = arith.constant 0 : i32
        %ne3A_162 = arith.cmpi ne, %rem3A_160, %ne3A_161 : i32
        %lt3A = arith.constant 0 : i32
        %lt3A_163 = arith.cmpi slt, %rem3A_160, %lt3A : i32
        %lt3A_164 = arith.constant 0 : i32
        %lt3A_165 = arith.cmpi slt, %select_n3A_159, %lt3A_164 : i32
        %ne3A_166 = arith.xori %lt3A_163, %lt3A_165 : i1
        %and3A_167 = arith.andi %ne3A_166, %ne3A_162 : i1
        %add3A_168 = arith.addi %rem3A_160, %select_n3A_159 : i32
        %select_n3A_169 = arith.select %and3A_167, %add3A_168, %rem3A_160 : i32
        "tpu.region"() ({
          %run_scoped3A = tpu.sem_alloc : memref<!tpu.dma_semaphore, #tpu.memory_space<semaphore_mem>>
          %dma_start3A = arith.constant 0 : i32
          %dma_start3A_170 = tpu.memref_slice %arg5[%select_n3A_169, %add3A_154, %dma_start3A] : memref<14x16384x1024xf32, #tpu.memory_space<hbm>> -> memref<1x1x1024xf32, #tpu.memory_space<hbm>>
          %dma_start3A_171 = arith.constant 0 : i32
          %dma_start3A_172 = tpu.memref_slice %arg5[%select_n3A_169, %add3A_154, %dma_start3A_171] : memref<14x16384x1024xf32, #tpu.memory_space<hbm>> -> memref<1x1x1024xf32, #tpu.memory_space<hbm>>
          tpu.enqueue_dma source(%arg7 : memref<1x1x1024xf32, #tpu.memory_space<vmem>>) target(%dma_start3A_172 : memref<1x1x1024xf32, #tpu.memory_space<hbm>>) target_semaphore(%run_scoped3A : memref<!tpu.dma_semaphore, #tpu.memory_space<semaphore_mem>>)
          %dma_wait3A = arith.constant 0 : i32
          %dma_wait3A_173 = tpu.memref_slice %arg5[%select_n3A_169, %add3A_154, %dma_wait3A] : memref<14x16384x1024xf32, #tpu.memory_space<hbm>> -> memref<1x1x1024xf32, #tpu.memory_space<hbm>>
          %dma_wait3A_174 = arith.constant 0 : i32
          %dma_wait3A_175 = tpu.memref_slice %arg5[%select_n3A_169, %add3A_154, %dma_wait3A_174] : memref<14x16384x1024xf32, #tpu.memory_space<hbm>> -> memref<1x1x1024xf32, #tpu.memory_space<hbm>>
          tpu.wait_dma2 semaphore(%run_scoped3A : memref<!tpu.dma_semaphore, #tpu.memory_space<semaphore_mem>>) src(%arg7 : memref<1x1x1024xf32, #tpu.memory_space<vmem>>) dst(%dma_wait3A_175 : memref<1x1x1024xf32, #tpu.memory_space<hbm>>)
          tpu.yield
        }) : () -> ()
      } else {
      }
      %slice3A_92 = vector.extract_strided_slice %get3A_26 {offsets = [10], sizes = [1], strides = [1]} : vector<16xi32> to vector<1xi32>
      %squeeze3A_93 = vector.extract %slice3A_92[0] : i32 from vector<1xi32>
      %eq3A_94 = arith.constant 0 : i32
      %eq3A_95 = arith.cmpi eq, %squeeze3A_93, %eq3A_94 : i32
      %convert_element_type3A_96 = arith.extui %eq3A_95 : i1 to i32
      %cond3A_97 = arith.constant 0 : i32
      %cond3A_98 = arith.cmpi ne, %convert_element_type3A_96, %cond3A_97 : i32
      scf.if %cond3A_98 {
        %mul3A_134 = arith.constant 16 : i32
        %mul3A_135 = arith.muli %scan3A_22, %mul3A_134 : i32
        %add3A_136 = arith.constant 10 : i32
        %add3A_137 = arith.addi %mul3A_135, %add3A_136 : i32
        %jit3A = arith.constant 14 : i32
        %div3A = arith.divsi %add3A_137, %jit3A : i32
        %sign3A = arith.constant 0 : i32
        %sign3A_138 = arith.cmpi sgt, %add3A_137, %sign3A : i32
        %sign3A_139 = arith.extui %sign3A_138 : i1 to i32
        %sign3A_140 = arith.constant 0 : i32
        %sign3A_141 = arith.cmpi slt, %add3A_137, %sign3A_140 : i32
        %sign3A_142 = arith.extui %sign3A_141 : i1 to i32
        %sign3A_143 = arith.subi %sign3A_139, %sign3A_142 : i32
        %sign3A_144 = arith.constant 0 : i32
        %sign3A_145 = arith.cmpi sgt, %jit3A, %sign3A_144 : i32
        %sign3A_146 = arith.extui %sign3A_145 : i1 to i32
        %sign3A_147 = arith.constant 0 : i32
        %sign3A_148 = arith.cmpi slt, %jit3A, %sign3A_147 : i32
        %sign3A_149 = arith.extui %sign3A_148 : i1 to i32
        %sign3A_150 = arith.subi %sign3A_146, %sign3A_149 : i32
        %ne3A = arith.cmpi ne, %sign3A_143, %sign3A_150 : i32
        %rem3A = arith.remsi %add3A_137, %jit3A : i32
        %ne3A_151 = arith.constant 0 : i32
        %ne3A_152 = arith.cmpi ne, %rem3A, %ne3A_151 : i32
        %and3A = arith.andi %ne3A, %ne3A_152 : i1
        %sub3A = arith.constant 1 : i32
        %sub3A_153 = arith.subi %div3A, %sub3A : i32
        %select_n3A = arith.select %and3A, %sub3A_153, %div3A : i32
        %add3A_154 = arith.addi %mul3A_2, %select_n3A : i32
        %jit3A_155 = arith.constant 14 : i32
        %eq3A_156 = arith.constant 0 : i32
        %eq3A_157 = arith.cmpi eq, %jit3A_155, %eq3A_156 : i32
        %jit3A_158 = arith.constant 1 : i32
        %select_n3A_159 = arith.select %eq3A_157, %jit3A_158, %jit3A_155 : i32
        %rem3A_160 = arith.remsi %add3A_137, %select_n3A_159 : i32
        %ne3A_161 = arith.constant 0 : i32
        %ne3A_162 = arith.cmpi ne, %rem3A_160, %ne3A_161 : i32
        %lt3A = arith.constant 0 : i32
        %lt3A_163 = arith.cmpi slt, %rem3A_160, %lt3A : i32
        %lt3A_164 = arith.constant 0 : i32
        %lt3A_165 = arith.cmpi slt, %select_n3A_159, %lt3A_164 : i32
        %ne3A_166 = arith.xori %lt3A_163, %lt3A_165 : i1
        %and3A_167 = arith.andi %ne3A_166, %ne3A_162 : i1
        %add3A_168 = arith.addi %rem3A_160, %select_n3A_159 : i32
        %select_n3A_169 = arith.select %and3A_167, %add3A_168, %rem3A_160 : i32
        "tpu.region"() ({
          %run_scoped3A = tpu.sem_alloc : memref<!tpu.dma_semaphore, #tpu.memory_space<semaphore_mem>>
          %dma_start3A = arith.constant 0 : i32
          %dma_start3A_170 = tpu.memref_slice %arg5[%select_n3A_169, %add3A_154, %dma_start3A] : memref<14x16384x1024xf32, #tpu.memory_space<hbm>> -> memref<1x1x1024xf32, #tpu.memory_space<hbm>>
          %dma_start3A_171 = arith.constant 0 : i32
          %dma_start3A_172 = tpu.memref_slice %arg5[%select_n3A_169, %add3A_154, %dma_start3A_171] : memref<14x16384x1024xf32, #tpu.memory_space<hbm>> -> memref<1x1x1024xf32, #tpu.memory_space<hbm>>
          tpu.enqueue_dma source(%arg7 : memref<1x1x1024xf32, #tpu.memory_space<vmem>>) target(%dma_start3A_172 : memref<1x1x1024xf32, #tpu.memory_space<hbm>>) target_semaphore(%run_scoped3A : memref<!tpu.dma_semaphore, #tpu.memory_space<semaphore_mem>>)
          %dma_wait3A = arith.constant 0 : i32
          %dma_wait3A_173 = tpu.memref_slice %arg5[%select_n3A_169, %add3A_154, %dma_wait3A] : memref<14x16384x1024xf32, #tpu.memory_space<hbm>> -> memref<1x1x1024xf32, #tpu.memory_space<hbm>>
          %dma_wait3A_174 = arith.constant 0 : i32
          %dma_wait3A_175 = tpu.memref_slice %arg5[%select_n3A_169, %add3A_154, %dma_wait3A_174] : memref<14x16384x1024xf32, #tpu.memory_space<hbm>> -> memref<1x1x1024xf32, #tpu.memory_space<hbm>>
          tpu.wait_dma2 semaphore(%run_scoped3A : memref<!tpu.dma_semaphore, #tpu.memory_space<semaphore_mem>>) src(%arg7 : memref<1x1x1024xf32, #tpu.memory_space<vmem>>) dst(%dma_wait3A_175 : memref<1x1x1024xf32, #tpu.memory_space<hbm>>)
          tpu.yield
        }) : () -> ()
      } else {
      }
      %slice3A_99 = vector.extract_strided_slice %get3A_26 {offsets = [11], sizes = [1], strides = [1]} : vector<16xi32> to vector<1xi32>
      %squeeze3A_100 = vector.extract %slice3A_99[0] : i32 from vector<1xi32>
      %eq3A_101 = arith.constant 0 : i32
      %eq3A_102 = arith.cmpi eq, %squeeze3A_100, %eq3A_101 : i32
      %convert_element_type3A_103 = arith.extui %eq3A_102 : i1 to i32
      %cond3A_104 = arith.constant 0 : i32
      %cond3A_105 = arith.cmpi ne, %convert_element_type3A_103, %cond3A_104 : i32
      scf.if %cond3A_105 {
        %mul3A_134 = arith.constant 16 : i32
        %mul3A_135 = arith.muli %scan3A_22, %mul3A_134 : i32
        %add3A_136 = arith.constant 11 : i32
        %add3A_137 = arith.addi %mul3A_135, %add3A_136 : i32
        %jit3A = arith.constant 14 : i32
        %div3A = arith.divsi %add3A_137, %jit3A : i32
        %sign3A = arith.constant 0 : i32
        %sign3A_138 = arith.cmpi sgt, %add3A_137, %sign3A : i32
        %sign3A_139 = arith.extui %sign3A_138 : i1 to i32
        %sign3A_140 = arith.constant 0 : i32
        %sign3A_141 = arith.cmpi slt, %add3A_137, %sign3A_140 : i32
        %sign3A_142 = arith.extui %sign3A_141 : i1 to i32
        %sign3A_143 = arith.subi %sign3A_139, %sign3A_142 : i32
        %sign3A_144 = arith.constant 0 : i32
        %sign3A_145 = arith.cmpi sgt, %jit3A, %sign3A_144 : i32
        %sign3A_146 = arith.extui %sign3A_145 : i1 to i32
        %sign3A_147 = arith.constant 0 : i32
        %sign3A_148 = arith.cmpi slt, %jit3A, %sign3A_147 : i32
        %sign3A_149 = arith.extui %sign3A_148 : i1 to i32
        %sign3A_150 = arith.subi %sign3A_146, %sign3A_149 : i32
        %ne3A = arith.cmpi ne, %sign3A_143, %sign3A_150 : i32
        %rem3A = arith.remsi %add3A_137, %jit3A : i32
        %ne3A_151 = arith.constant 0 : i32
        %ne3A_152 = arith.cmpi ne, %rem3A, %ne3A_151 : i32
        %and3A = arith.andi %ne3A, %ne3A_152 : i1
        %sub3A = arith.constant 1 : i32
        %sub3A_153 = arith.subi %div3A, %sub3A : i32
        %select_n3A = arith.select %and3A, %sub3A_153, %div3A : i32
        %add3A_154 = arith.addi %mul3A_2, %select_n3A : i32
        %jit3A_155 = arith.constant 14 : i32
        %eq3A_156 = arith.constant 0 : i32
        %eq3A_157 = arith.cmpi eq, %jit3A_155, %eq3A_156 : i32
        %jit3A_158 = arith.constant 1 : i32
        %select_n3A_159 = arith.select %eq3A_157, %jit3A_158, %jit3A_155 : i32
        %rem3A_160 = arith.remsi %add3A_137, %select_n3A_159 : i32
        %ne3A_161 = arith.constant 0 : i32
        %ne3A_162 = arith.cmpi ne, %rem3A_160, %ne3A_161 : i32
        %lt3A = arith.constant 0 : i32
        %lt3A_163 = arith.cmpi slt, %rem3A_160, %lt3A : i32
        %lt3A_164 = arith.constant 0 : i32
        %lt3A_165 = arith.cmpi slt, %select_n3A_159, %lt3A_164 : i32
        %ne3A_166 = arith.xori %lt3A_163, %lt3A_165 : i1
        %and3A_167 = arith.andi %ne3A_166, %ne3A_162 : i1
        %add3A_168 = arith.addi %rem3A_160, %select_n3A_159 : i32
        %select_n3A_169 = arith.select %and3A_167, %add3A_168, %rem3A_160 : i32
        "tpu.region"() ({
          %run_scoped3A = tpu.sem_alloc : memref<!tpu.dma_semaphore, #tpu.memory_space<semaphore_mem>>
          %dma_start3A = arith.constant 0 : i32
          %dma_start3A_170 = tpu.memref_slice %arg5[%select_n3A_169, %add3A_154, %dma_start3A] : memref<14x16384x1024xf32, #tpu.memory_space<hbm>> -> memref<1x1x1024xf32, #tpu.memory_space<hbm>>
          %dma_start3A_171 = arith.constant 0 : i32
          %dma_start3A_172 = tpu.memref_slice %arg5[%select_n3A_169, %add3A_154, %dma_start3A_171] : memref<14x16384x1024xf32, #tpu.memory_space<hbm>> -> memref<1x1x1024xf32, #tpu.memory_space<hbm>>
          tpu.enqueue_dma source(%arg7 : memref<1x1x1024xf32, #tpu.memory_space<vmem>>) target(%dma_start3A_172 : memref<1x1x1024xf32, #tpu.memory_space<hbm>>) target_semaphore(%run_scoped3A : memref<!tpu.dma_semaphore, #tpu.memory_space<semaphore_mem>>)
          %dma_wait3A = arith.constant 0 : i32
          %dma_wait3A_173 = tpu.memref_slice %arg5[%select_n3A_169, %add3A_154, %dma_wait3A] : memref<14x16384x1024xf32, #tpu.memory_space<hbm>> -> memref<1x1x1024xf32, #tpu.memory_space<hbm>>
          %dma_wait3A_174 = arith.constant 0 : i32
          %dma_wait3A_175 = tpu.memref_slice %arg5[%select_n3A_169, %add3A_154, %dma_wait3A_174] : memref<14x16384x1024xf32, #tpu.memory_space<hbm>> -> memref<1x1x1024xf32, #tpu.memory_space<hbm>>
          tpu.wait_dma2 semaphore(%run_scoped3A : memref<!tpu.dma_semaphore, #tpu.memory_space<semaphore_mem>>) src(%arg7 : memref<1x1x1024xf32, #tpu.memory_space<vmem>>) dst(%dma_wait3A_175 : memref<1x1x1024xf32, #tpu.memory_space<hbm>>)
          tpu.yield
        }) : () -> ()
      } else {
      }
      %slice3A_106 = vector.extract_strided_slice %get3A_26 {offsets = [12], sizes = [1], strides = [1]} : vector<16xi32> to vector<1xi32>
      %squeeze3A_107 = vector.extract %slice3A_106[0] : i32 from vector<1xi32>
      %eq3A_108 = arith.constant 0 : i32
      %eq3A_109 = arith.cmpi eq, %squeeze3A_107, %eq3A_108 : i32
      %convert_element_type3A_110 = arith.extui %eq3A_109 : i1 to i32
      %cond3A_111 = arith.constant 0 : i32
      %cond3A_112 = arith.cmpi ne, %convert_element_type3A_110, %cond3A_111 : i32
      scf.if %cond3A_112 {
        %mul3A_134 = arith.constant 16 : i32
        %mul3A_135 = arith.muli %scan3A_22, %mul3A_134 : i32
        %add3A_136 = arith.constant 12 : i32
        %add3A_137 = arith.addi %mul3A_135, %add3A_136 : i32
        %jit3A = arith.constant 14 : i32
        %div3A = arith.divsi %add3A_137, %jit3A : i32
        %sign3A = arith.constant 0 : i32
        %sign3A_138 = arith.cmpi sgt, %add3A_137, %sign3A : i32
        %sign3A_139 = arith.extui %sign3A_138 : i1 to i32
        %sign3A_140 = arith.constant 0 : i32
        %sign3A_141 = arith.cmpi slt, %add3A_137, %sign3A_140 : i32
        %sign3A_142 = arith.extui %sign3A_141 : i1 to i32
        %sign3A_143 = arith.subi %sign3A_139, %sign3A_142 : i32
        %sign3A_144 = arith.constant 0 : i32
        %sign3A_145 = arith.cmpi sgt, %jit3A, %sign3A_144 : i32
        %sign3A_146 = arith.extui %sign3A_145 : i1 to i32
        %sign3A_147 = arith.constant 0 : i32
        %sign3A_148 = arith.cmpi slt, %jit3A, %sign3A_147 : i32
        %sign3A_149 = arith.extui %sign3A_148 : i1 to i32
        %sign3A_150 = arith.subi %sign3A_146, %sign3A_149 : i32
        %ne3A = arith.cmpi ne, %sign3A_143, %sign3A_150 : i32
        %rem3A = arith.remsi %add3A_137, %jit3A : i32
        %ne3A_151 = arith.constant 0 : i32
        %ne3A_152 = arith.cmpi ne, %rem3A, %ne3A_151 : i32
        %and3A = arith.andi %ne3A, %ne3A_152 : i1
        %sub3A = arith.constant 1 : i32
        %sub3A_153 = arith.subi %div3A, %sub3A : i32
        %select_n3A = arith.select %and3A, %sub3A_153, %div3A : i32
        %add3A_154 = arith.addi %mul3A_2, %select_n3A : i32
        %jit3A_155 = arith.constant 14 : i32
        %eq3A_156 = arith.constant 0 : i32
        %eq3A_157 = arith.cmpi eq, %jit3A_155, %eq3A_156 : i32
        %jit3A_158 = arith.constant 1 : i32
        %select_n3A_159 = arith.select %eq3A_157, %jit3A_158, %jit3A_155 : i32
        %rem3A_160 = arith.remsi %add3A_137, %select_n3A_159 : i32
        %ne3A_161 = arith.constant 0 : i32
        %ne3A_162 = arith.cmpi ne, %rem3A_160, %ne3A_161 : i32
        %lt3A = arith.constant 0 : i32
        %lt3A_163 = arith.cmpi slt, %rem3A_160, %lt3A : i32
        %lt3A_164 = arith.constant 0 : i32
        %lt3A_165 = arith.cmpi slt, %select_n3A_159, %lt3A_164 : i32
        %ne3A_166 = arith.xori %lt3A_163, %lt3A_165 : i1
        %and3A_167 = arith.andi %ne3A_166, %ne3A_162 : i1
        %add3A_168 = arith.addi %rem3A_160, %select_n3A_159 : i32
        %select_n3A_169 = arith.select %and3A_167, %add3A_168, %rem3A_160 : i32
        "tpu.region"() ({
          %run_scoped3A = tpu.sem_alloc : memref<!tpu.dma_semaphore, #tpu.memory_space<semaphore_mem>>
          %dma_start3A = arith.constant 0 : i32
          %dma_start3A_170 = tpu.memref_slice %arg5[%select_n3A_169, %add3A_154, %dma_start3A] : memref<14x16384x1024xf32, #tpu.memory_space<hbm>> -> memref<1x1x1024xf32, #tpu.memory_space<hbm>>
          %dma_start3A_171 = arith.constant 0 : i32
          %dma_start3A_172 = tpu.memref_slice %arg5[%select_n3A_169, %add3A_154, %dma_start3A_171] : memref<14x16384x1024xf32, #tpu.memory_space<hbm>> -> memref<1x1x1024xf32, #tpu.memory_space<hbm>>
          tpu.enqueue_dma source(%arg7 : memref<1x1x1024xf32, #tpu.memory_space<vmem>>) target(%dma_start3A_172 : memref<1x1x1024xf32, #tpu.memory_space<hbm>>) target_semaphore(%run_scoped3A : memref<!tpu.dma_semaphore, #tpu.memory_space<semaphore_mem>>)
          %dma_wait3A = arith.constant 0 : i32
          %dma_wait3A_173 = tpu.memref_slice %arg5[%select_n3A_169, %add3A_154, %dma_wait3A] : memref<14x16384x1024xf32, #tpu.memory_space<hbm>> -> memref<1x1x1024xf32, #tpu.memory_space<hbm>>
          %dma_wait3A_174 = arith.constant 0 : i32
          %dma_wait3A_175 = tpu.memref_slice %arg5[%select_n3A_169, %add3A_154, %dma_wait3A_174] : memref<14x16384x1024xf32, #tpu.memory_space<hbm>> -> memref<1x1x1024xf32, #tpu.memory_space<hbm>>
          tpu.wait_dma2 semaphore(%run_scoped3A : memref<!tpu.dma_semaphore, #tpu.memory_space<semaphore_mem>>) src(%arg7 : memref<1x1x1024xf32, #tpu.memory_space<vmem>>) dst(%dma_wait3A_175 : memref<1x1x1024xf32, #tpu.memory_space<hbm>>)
          tpu.yield
        }) : () -> ()
      } else {
      }
      %slice3A_113 = vector.extract_strided_slice %get3A_26 {offsets = [13], sizes = [1], strides = [1]} : vector<16xi32> to vector<1xi32>
      %squeeze3A_114 = vector.extract %slice3A_113[0] : i32 from vector<1xi32>
      %eq3A_115 = arith.constant 0 : i32
      %eq3A_116 = arith.cmpi eq, %squeeze3A_114, %eq3A_115 : i32
      %convert_element_type3A_117 = arith.extui %eq3A_116 : i1 to i32
      %cond3A_118 = arith.constant 0 : i32
      %cond3A_119 = arith.cmpi ne, %convert_element_type3A_117, %cond3A_118 : i32
      scf.if %cond3A_119 {
        %mul3A_134 = arith.constant 16 : i32
        %mul3A_135 = arith.muli %scan3A_22, %mul3A_134 : i32
        %add3A_136 = arith.constant 13 : i32
        %add3A_137 = arith.addi %mul3A_135, %add3A_136 : i32
        %jit3A = arith.constant 14 : i32
        %div3A = arith.divsi %add3A_137, %jit3A : i32
        %sign3A = arith.constant 0 : i32
        %sign3A_138 = arith.cmpi sgt, %add3A_137, %sign3A : i32
        %sign3A_139 = arith.extui %sign3A_138 : i1 to i32
        %sign3A_140 = arith.constant 0 : i32
        %sign3A_141 = arith.cmpi slt, %add3A_137, %sign3A_140 : i32
        %sign3A_142 = arith.extui %sign3A_141 : i1 to i32
        %sign3A_143 = arith.subi %sign3A_139, %sign3A_142 : i32
        %sign3A_144 = arith.constant 0 : i32
        %sign3A_145 = arith.cmpi sgt, %jit3A, %sign3A_144 : i32
        %sign3A_146 = arith.extui %sign3A_145 : i1 to i32
        %sign3A_147 = arith.constant 0 : i32
        %sign3A_148 = arith.cmpi slt, %jit3A, %sign3A_147 : i32
        %sign3A_149 = arith.extui %sign3A_148 : i1 to i32
        %sign3A_150 = arith.subi %sign3A_146, %sign3A_149 : i32
        %ne3A = arith.cmpi ne, %sign3A_143, %sign3A_150 : i32
        %rem3A = arith.remsi %add3A_137, %jit3A : i32
        %ne3A_151 = arith.constant 0 : i32
        %ne3A_152 = arith.cmpi ne, %rem3A, %ne3A_151 : i32
        %and3A = arith.andi %ne3A, %ne3A_152 : i1
        %sub3A = arith.constant 1 : i32
        %sub3A_153 = arith.subi %div3A, %sub3A : i32
        %select_n3A = arith.select %and3A, %sub3A_153, %div3A : i32
        %add3A_154 = arith.addi %mul3A_2, %select_n3A : i32
        %jit3A_155 = arith.constant 14 : i32
        %eq3A_156 = arith.constant 0 : i32
        %eq3A_157 = arith.cmpi eq, %jit3A_155, %eq3A_156 : i32
        %jit3A_158 = arith.constant 1 : i32
        %select_n3A_159 = arith.select %eq3A_157, %jit3A_158, %jit3A_155 : i32
        %rem3A_160 = arith.remsi %add3A_137, %select_n3A_159 : i32
        %ne3A_161 = arith.constant 0 : i32
        %ne3A_162 = arith.cmpi ne, %rem3A_160, %ne3A_161 : i32
        %lt3A = arith.constant 0 : i32
        %lt3A_163 = arith.cmpi slt, %rem3A_160, %lt3A : i32
        %lt3A_164 = arith.constant 0 : i32
        %lt3A_165 = arith.cmpi slt, %select_n3A_159, %lt3A_164 : i32
        %ne3A_166 = arith.xori %lt3A_163, %lt3A_165 : i1
        %and3A_167 = arith.andi %ne3A_166, %ne3A_162 : i1
        %add3A_168 = arith.addi %rem3A_160, %select_n3A_159 : i32
        %select_n3A_169 = arith.select %and3A_167, %add3A_168, %rem3A_160 : i32
        "tpu.region"() ({
          %run_scoped3A = tpu.sem_alloc : memref<!tpu.dma_semaphore, #tpu.memory_space<semaphore_mem>>
          %dma_start3A = arith.constant 0 : i32
          %dma_start3A_170 = tpu.memref_slice %arg5[%select_n3A_169, %add3A_154, %dma_start3A] : memref<14x16384x1024xf32, #tpu.memory_space<hbm>> -> memref<1x1x1024xf32, #tpu.memory_space<hbm>>
          %dma_start3A_171 = arith.constant 0 : i32
          %dma_start3A_172 = tpu.memref_slice %arg5[%select_n3A_169, %add3A_154, %dma_start3A_171] : memref<14x16384x1024xf32, #tpu.memory_space<hbm>> -> memref<1x1x1024xf32, #tpu.memory_space<hbm>>
          tpu.enqueue_dma source(%arg7 : memref<1x1x1024xf32, #tpu.memory_space<vmem>>) target(%dma_start3A_172 : memref<1x1x1024xf32, #tpu.memory_space<hbm>>) target_semaphore(%run_scoped3A : memref<!tpu.dma_semaphore, #tpu.memory_space<semaphore_mem>>)
          %dma_wait3A = arith.constant 0 : i32
          %dma_wait3A_173 = tpu.memref_slice %arg5[%select_n3A_169, %add3A_154, %dma_wait3A] : memref<14x16384x1024xf32, #tpu.memory_space<hbm>> -> memref<1x1x1024xf32, #tpu.memory_space<hbm>>
          %dma_wait3A_174 = arith.constant 0 : i32
          %dma_wait3A_175 = tpu.memref_slice %arg5[%select_n3A_169, %add3A_154, %dma_wait3A_174] : memref<14x16384x1024xf32, #tpu.memory_space<hbm>> -> memref<1x1x1024xf32, #tpu.memory_space<hbm>>
          tpu.wait_dma2 semaphore(%run_scoped3A : memref<!tpu.dma_semaphore, #tpu.memory_space<semaphore_mem>>) src(%arg7 : memref<1x1x1024xf32, #tpu.memory_space<vmem>>) dst(%dma_wait3A_175 : memref<1x1x1024xf32, #tpu.memory_space<hbm>>)
          tpu.yield
        }) : () -> ()
      } else {
      }
      %slice3A_120 = vector.extract_strided_slice %get3A_26 {offsets = [14], sizes = [1], strides = [1]} : vector<16xi32> to vector<1xi32>
      %squeeze3A_121 = vector.extract %slice3A_120[0] : i32 from vector<1xi32>
      %eq3A_122 = arith.constant 0 : i32
      %eq3A_123 = arith.cmpi eq, %squeeze3A_121, %eq3A_122 : i32
      %convert_element_type3A_124 = arith.extui %eq3A_123 : i1 to i32
      %cond3A_125 = arith.constant 0 : i32
      %cond3A_126 = arith.cmpi ne, %convert_element_type3A_124, %cond3A_125 : i32
      scf.if %cond3A_126 {
        %mul3A_134 = arith.constant 16 : i32
        %mul3A_135 = arith.muli %scan3A_22, %mul3A_134 : i32
        %add3A_136 = arith.constant 14 : i32
        %add3A_137 = arith.addi %mul3A_135, %add3A_136 : i32
        %jit3A = arith.constant 14 : i32
        %div3A = arith.divsi %add3A_137, %jit3A : i32
        %sign3A = arith.constant 0 : i32
        %sign3A_138 = arith.cmpi sgt, %add3A_137, %sign3A : i32
        %sign3A_139 = arith.extui %sign3A_138 : i1 to i32
        %sign3A_140 = arith.constant 0 : i32
        %sign3A_141 = arith.cmpi slt, %add3A_137, %sign3A_140 : i32
        %sign3A_142 = arith.extui %sign3A_141 : i1 to i32
        %sign3A_143 = arith.subi %sign3A_139, %sign3A_142 : i32
        %sign3A_144 = arith.constant 0 : i32
        %sign3A_145 = arith.cmpi sgt, %jit3A, %sign3A_144 : i32
        %sign3A_146 = arith.extui %sign3A_145 : i1 to i32
        %sign3A_147 = arith.constant 0 : i32
        %sign3A_148 = arith.cmpi slt, %jit3A, %sign3A_147 : i32
        %sign3A_149 = arith.extui %sign3A_148 : i1 to i32
        %sign3A_150 = arith.subi %sign3A_146, %sign3A_149 : i32
        %ne3A = arith.cmpi ne, %sign3A_143, %sign3A_150 : i32
        %rem3A = arith.remsi %add3A_137, %jit3A : i32
        %ne3A_151 = arith.constant 0 : i32
        %ne3A_152 = arith.cmpi ne, %rem3A, %ne3A_151 : i32
        %and3A = arith.andi %ne3A, %ne3A_152 : i1
        %sub3A = arith.constant 1 : i32
        %sub3A_153 = arith.subi %div3A, %sub3A : i32
        %select_n3A = arith.select %and3A, %sub3A_153, %div3A : i32
        %add3A_154 = arith.addi %mul3A_2, %select_n3A : i32
        %jit3A_155 = arith.constant 14 : i32
        %eq3A_156 = arith.constant 0 : i32
        %eq3A_157 = arith.cmpi eq, %jit3A_155, %eq3A_156 : i32
        %jit3A_158 = arith.constant 1 : i32
        %select_n3A_159 = arith.select %eq3A_157, %jit3A_158, %jit3A_155 : i32
        %rem3A_160 = arith.remsi %add3A_137, %select_n3A_159 : i32
        %ne3A_161 = arith.constant 0 : i32
        %ne3A_162 = arith.cmpi ne, %rem3A_160, %ne3A_161 : i32
        %lt3A = arith.constant 0 : i32
        %lt3A_163 = arith.cmpi slt, %rem3A_160, %lt3A : i32
        %lt3A_164 = arith.constant 0 : i32
        %lt3A_165 = arith.cmpi slt, %select_n3A_159, %lt3A_164 : i32
        %ne3A_166 = arith.xori %lt3A_163, %lt3A_165 : i1
        %and3A_167 = arith.andi %ne3A_166, %ne3A_162 : i1
        %add3A_168 = arith.addi %rem3A_160, %select_n3A_159 : i32
        %select_n3A_169 = arith.select %and3A_167, %add3A_168, %rem3A_160 : i32
        "tpu.region"() ({
          %run_scoped3A = tpu.sem_alloc : memref<!tpu.dma_semaphore, #tpu.memory_space<semaphore_mem>>
          %dma_start3A = arith.constant 0 : i32
          %dma_start3A_170 = tpu.memref_slice %arg5[%select_n3A_169, %add3A_154, %dma_start3A] : memref<14x16384x1024xf32, #tpu.memory_space<hbm>> -> memref<1x1x1024xf32, #tpu.memory_space<hbm>>
          %dma_start3A_171 = arith.constant 0 : i32
          %dma_start3A_172 = tpu.memref_slice %arg5[%select_n3A_169, %add3A_154, %dma_start3A_171] : memref<14x16384x1024xf32, #tpu.memory_space<hbm>> -> memref<1x1x1024xf32, #tpu.memory_space<hbm>>
          tpu.enqueue_dma source(%arg7 : memref<1x1x1024xf32, #tpu.memory_space<vmem>>) target(%dma_start3A_172 : memref<1x1x1024xf32, #tpu.memory_space<hbm>>) target_semaphore(%run_scoped3A : memref<!tpu.dma_semaphore, #tpu.memory_space<semaphore_mem>>)
          %dma_wait3A = arith.constant 0 : i32
          %dma_wait3A_173 = tpu.memref_slice %arg5[%select_n3A_169, %add3A_154, %dma_wait3A] : memref<14x16384x1024xf32, #tpu.memory_space<hbm>> -> memref<1x1x1024xf32, #tpu.memory_space<hbm>>
          %dma_wait3A_174 = arith.constant 0 : i32
          %dma_wait3A_175 = tpu.memref_slice %arg5[%select_n3A_169, %add3A_154, %dma_wait3A_174] : memref<14x16384x1024xf32, #tpu.memory_space<hbm>> -> memref<1x1x1024xf32, #tpu.memory_space<hbm>>
          tpu.wait_dma2 semaphore(%run_scoped3A : memref<!tpu.dma_semaphore, #tpu.memory_space<semaphore_mem>>) src(%arg7 : memref<1x1x1024xf32, #tpu.memory_space<vmem>>) dst(%dma_wait3A_175 : memref<1x1x1024xf32, #tpu.memory_space<hbm>>)
          tpu.yield
        }) : () -> ()
      } else {
      }
      %slice3A_127 = vector.extract_strided_slice %get3A_26 {offsets = [15], sizes = [1], strides = [1]} : vector<16xi32> to vector<1xi32>
      %squeeze3A_128 = vector.extract %slice3A_127[0] : i32 from vector<1xi32>
      %eq3A_129 = arith.constant 0 : i32
      %eq3A_130 = arith.cmpi eq, %squeeze3A_128, %eq3A_129 : i32
      %convert_element_type3A_131 = arith.extui %eq3A_130 : i1 to i32
      %cond3A_132 = arith.constant 0 : i32
      %cond3A_133 = arith.cmpi ne, %convert_element_type3A_131, %cond3A_132 : i32
      scf.if %cond3A_133 {
        %mul3A_134 = arith.constant 16 : i32
        %mul3A_135 = arith.muli %scan3A_22, %mul3A_134 : i32
        %add3A_136 = arith.constant 15 : i32
        %add3A_137 = arith.addi %mul3A_135, %add3A_136 : i32
        %jit3A = arith.constant 14 : i32
        %div3A = arith.divsi %add3A_137, %jit3A : i32
        %sign3A = arith.constant 0 : i32
        %sign3A_138 = arith.cmpi sgt, %add3A_137, %sign3A : i32
        %sign3A_139 = arith.extui %sign3A_138 : i1 to i32
        %sign3A_140 = arith.constant 0 : i32
        %sign3A_141 = arith.cmpi slt, %add3A_137, %sign3A_140 : i32
        %sign3A_142 = arith.extui %sign3A_141 : i1 to i32
        %sign3A_143 = arith.subi %sign3A_139, %sign3A_142 : i32
        %sign3A_144 = arith.constant 0 : i32
        %sign3A_145 = arith.cmpi sgt, %jit3A, %sign3A_144 : i32
        %sign3A_146 = arith.extui %sign3A_145 : i1 to i32
        %sign3A_147 = arith.constant 0 : i32
        %sign3A_148 = arith.cmpi slt, %jit3A, %sign3A_147 : i32
        %sign3A_149 = arith.extui %sign3A_148 : i1 to i32
        %sign3A_150 = arith.subi %sign3A_146, %sign3A_149 : i32
        %ne3A = arith.cmpi ne, %sign3A_143, %sign3A_150 : i32
        %rem3A = arith.remsi %add3A_137, %jit3A : i32
        %ne3A_151 = arith.constant 0 : i32
        %ne3A_152 = arith.cmpi ne, %rem3A, %ne3A_151 : i32
        %and3A = arith.andi %ne3A, %ne3A_152 : i1
        %sub3A = arith.constant 1 : i32
        %sub3A_153 = arith.subi %div3A, %sub3A : i32
        %select_n3A = arith.select %and3A, %sub3A_153, %div3A : i32
        %add3A_154 = arith.addi %mul3A_2, %select_n3A : i32
        %jit3A_155 = arith.constant 14 : i32
        %eq3A_156 = arith.constant 0 : i32
        %eq3A_157 = arith.cmpi eq, %jit3A_155, %eq3A_156 : i32
        %jit3A_158 = arith.constant 1 : i32
        %select_n3A_159 = arith.select %eq3A_157, %jit3A_158, %jit3A_155 : i32
        %rem3A_160 = arith.remsi %add3A_137, %select_n3A_159 : i32
        %ne3A_161 = arith.constant 0 : i32
        %ne3A_162 = arith.cmpi ne, %rem3A_160, %ne3A_161 : i32
        %lt3A = arith.constant 0 : i32
        %lt3A_163 = arith.cmpi slt, %rem3A_160, %lt3A : i32
        %lt3A_164 = arith.constant 0 : i32
        %lt3A_165 = arith.cmpi slt, %select_n3A_159, %lt3A_164 : i32
        %ne3A_166 = arith.xori %lt3A_163, %lt3A_165 : i1
        %and3A_167 = arith.andi %ne3A_166, %ne3A_162 : i1
        %add3A_168 = arith.addi %rem3A_160, %select_n3A_159 : i32
        %select_n3A_169 = arith.select %and3A_167, %add3A_168, %rem3A_160 : i32
        "tpu.region"() ({
          %run_scoped3A = tpu.sem_alloc : memref<!tpu.dma_semaphore, #tpu.memory_space<semaphore_mem>>
          %dma_start3A = arith.constant 0 : i32
          %dma_start3A_170 = tpu.memref_slice %arg5[%select_n3A_169, %add3A_154, %dma_start3A] : memref<14x16384x1024xf32, #tpu.memory_space<hbm>> -> memref<1x1x1024xf32, #tpu.memory_space<hbm>>
          %dma_start3A_171 = arith.constant 0 : i32
          %dma_start3A_172 = tpu.memref_slice %arg5[%select_n3A_169, %add3A_154, %dma_start3A_171] : memref<14x16384x1024xf32, #tpu.memory_space<hbm>> -> memref<1x1x1024xf32, #tpu.memory_space<hbm>>
          tpu.enqueue_dma source(%arg7 : memref<1x1x1024xf32, #tpu.memory_space<vmem>>) target(%dma_start3A_172 : memref<1x1x1024xf32, #tpu.memory_space<hbm>>) target_semaphore(%run_scoped3A : memref<!tpu.dma_semaphore, #tpu.memory_space<semaphore_mem>>)
          %dma_wait3A = arith.constant 0 : i32
          %dma_wait3A_173 = tpu.memref_slice %arg5[%select_n3A_169, %add3A_154, %dma_wait3A] : memref<14x16384x1024xf32, #tpu.memory_space<hbm>> -> memref<1x1x1024xf32, #tpu.memory_space<hbm>>
          %dma_wait3A_174 = arith.constant 0 : i32
          %dma_wait3A_175 = tpu.memref_slice %arg5[%select_n3A_169, %add3A_154, %dma_wait3A_174] : memref<14x16384x1024xf32, #tpu.memory_space<hbm>> -> memref<1x1x1024xf32, #tpu.memory_space<hbm>>
          tpu.wait_dma2 semaphore(%run_scoped3A : memref<!tpu.dma_semaphore, #tpu.memory_space<semaphore_mem>>) src(%arg7 : memref<1x1x1024xf32, #tpu.memory_space<vmem>>) dst(%dma_wait3A_175 : memref<1x1x1024xf32, #tpu.memory_space<hbm>>)
          tpu.yield
        }) : () -> ()
      } else {
      }
    }
    %scan3A_21 = arith.constant 448 : i32
    return
  }
}

</mosaic_0001>

<sc_bundles>
// kernel: kernel.3.cloned.1.call-start
scs
__scs_entry_jumppad:
0x0: {  	(pc) =	sbr.rel $0x88, $3  }
0x1: {  	(tag) =	ssettag $0x0;
	lr =	simm.s32 $0x1  }
0x2: {  	[smem:$0x3F9F] =	sst lr;
	_ =	strace $0xD0000000  }
0x3: {  	_ = 	snop  }
0x4: {  	_ = 	snop  }
0x5: {  	_ = 	snop  }
0x6: {  	_ = 	snop  }
0x7: {  	_ = 	snop  }
__scs_overlays_trampoline_lowered:
0x8: {  	[smem:$0x3FAE] =	sst s0  }
0x9: {  	[smem:$0x3FAF] =	sst s1  }
0xa: {  	[smem:$0x3FB0] =	sst s2  }
0xb: {  	[smem:$0x3FB1] =	sst s3  }
0xc: {  	[smem:$0x3FB2] =	sst s4  }
0xd: {  	[smem:$0x3FB3] =	sst s5  }
0xe: {  	[smem:$0x3FB4] =	sst s6  }
0xf: {  	[smem:$0x3FB5] =	sst s7  }
0x10: {  	[smem:$0x3FB6] =	sst s8  }
0x11: {  	[smem:$0x3FB7] =	sst s9;
	s0 =	simm.s32 @!p0 $0x0  }
0x12: {  	s1 =	sld [smem:$0x3F9D];
	s0 =	simm.s32 @p0 $0x1  }
0x13: {  	[smem:$0x3FB8] =	sst s0;
	s0 =	simm.s32 @!p1 $0x0  }
0x14: {  	s2 =	sld [smem:$0x3F9C];
	s0 =	simm.s32 @p1 $0x1  }
0x15: {  	[smem:$0x3FB9] =	sst s0;
	s0 =	simm.s32 @!p2 $0x0  }
0x16: {  	s3 =	sld [smem:$0x3FDB];
	s0 =	simm.s32 @p2 $0x1  }
0x17: {  	s4 =	simm.s32 $0x1BF5;
	[smem:$0x3FBB] =	sst s0  }
0x18: {  	s0 =	sld [smem:$0x3F9E];
	_ =	swait.ge [sflag:s4], $0x0  }
0x19: {  	s7 =	sld [smem:$0x3F9F]  }
0x1a: {  	s8 =	sadd.s32 $0xFFFFE003, lr  }
0x1b: {  	s9 =	sadd.s32 $0xFFFFFEF7, lr;
	s5 =	simm.s32 $0xFFFFFFFF;
	p2 =	slt.u32 s8, $0xFFFFF086  }
0x1c: {  	p1 =	slt.u32 s9, $0xF7A;
	s5 =	simm.s32 @!p2 $0x0  }
0x1d: {  	s5 =	simm.s32 @p1 $0x1;
	p0 =	seq.s32 s7, s2  }
0x1e: {  	s7 =	smul.u32 @!p0 $0xF7A, s2;
	p2 =	seq.s32 @!p0 s5, $0x0  }
0x1f: {  	s9 =	smul.u32 $0xF7A, s1;
	s8 =	simm.s32 @!p0 $0x1BF5;
	p2 =	por !p2, p0  }
0x20: {  	[sflag:s8] =	ssyncset.s32 @!p0 $0xFFFFF086;
	s6 =	sadd.s32 @!p0 s3, s7;
	s7 =	simm.s32 @!p0 $0x108  }
0x21: {  	s3 =	sadd.s32 s3, s9;
	s6 =	sadd.s32 @!p0 $0x88, s6;
	s7 =	simm.s32 @p2 $0x1082  }
0x22: {  	[simem:s7], [sflag:s8] =	dma.local @!p0 [hbm:s6], $0xF7A  }
0x23: {  	s9 =	sor.u32 $0xD0000000, s2;
	s6 =	simm.s32 $0x108;
	_ =	swait.ge @!p0 [sflag:s8], $0x0  }
0x24: {  	s3 =	sadd.s32 $0x88, s3;
	s6 =	simm.s32 @!p1 $0x1082;
	[sflag:s4] =	ssyncset.s32 $0xFFFFF086  }
0x25: {  	[simem:s6], [sflag:s4] =	dma.local [hbm:s3], $0xF7A  }
0x26: {  	[smem:$0x3F9F] =	sst s1;
	(tag) =	ssettag s2;
	_ =	strace s9  }
0x27: {  	s1 =	sld [smem:$0x3FAF]  }
0x28: {  	s2 =	sld [smem:$0x3FB0]  }
0x29: {  	s4 =	sld [smem:$0x3FB2]  }
0x2a: {  	p0 =	seq.s32 s5, $0x0;
	s5 =	sld [smem:$0x3FB3]  }
0x2b: {  	s6 =	sld [smem:$0x3FB4]  }
0x2c: {  	s7 =	sld [smem:$0x3FB5]  }
0x2d: {  	s3 =	simm.s32 $0x108;
	s8 =	sld [smem:$0x3FB6]  }
0x2e: {  	s3 =	simm.s32 @!p0 $0x1082;
	s9 =	sld [smem:$0x3FB7]  }
0x2f: {  	lr =	sadd.s32 s0, s3;
	s0 =	sld [smem:$0x3FAE]  }
0x30: {  	s3 =	sld [smem:$0x3FB1]  }
0x31: {  	[smem:$0x3FBA] =	sst s10  }
0x32: {  	s10 =	sld [smem:$0x3FB8];
	_ =	sdelay $0x3  }
0x33: {  	p0 =	seq.s32 s10, $0x1;
	s10 =	sld [smem:$0x3FBA];
	_ =	sdelay $0x3  }
0x34: {  	[smem:$0x3FBA] =	sst s10  }
0x35: {  	s10 =	sld [smem:$0x3FB9];
	_ =	sdelay $0x3  }
0x36: {  	p1 =	seq.s32 s10, $0x1;
	s10 =	sld [smem:$0x3FBA];
	_ =	sdelay $0x3  }
0x37: {  	[smem:$0x3FBA] =	sst s10  }
0x38: {  	s10 =	sld [smem:$0x3FBB]  }
0x39: {  	_ = 	snop;
	(pc) =	sbr.ind lr, $3  }
0x3a: {  	_ = 	snop  }
0x3b: {  	_ = 	snop  }
0x3c: {  	p2 =	seq.s32 s10, $0x1;
	s10 =	sld [smem:$0x3FBA]  }
0x3d: {  	_ =	shalt  }
0x3e: {  	_ =	shalt  }
0x3f: {  	_ =	shalt  }
0x40: {  	_ =	shalt  }
0x41: {  	_ =	shalt  }
0x42: {  	_ =	shalt  }
0x43: {  	_ =	shalt  }
0x44: {  	_ =	shalt  }
0x45: {  	_ =	shalt  }
0x46: {  	_ =	shalt  }
0x47: {  	_ =	shalt  }
0x48: {  	_ =	shalt  }
0x49: {  	_ =	shalt  }
0x4a: {  	_ =	shalt  }
0x4b: {  	_ =	shalt  }
0x4c: {  	_ =	shalt  }
0x4d: {  	_ =	shalt  }
0x4e: {  	_ =	shalt  }
0x4f: {  	_ =	shalt  }
0x50: {  	_ =	shalt  }
0x51: {  	_ =	shalt  }
0x52: {  	_ =	shalt  }
0x53: {  	_ =	shalt  }
0x54: {  	_ =	shalt  }
0x55: {  	_ =	shalt  }
0x56: {  	_ =	shalt  }
0x57: {  	_ =	shalt  }
0x58: {  	_ =	shalt  }
0x59: {  	_ =	shalt  }
0x5a: {  	_ =	shalt  }
0x5b: {  	_ =	shalt  }
0x5c: {  	_ =	shalt  }
0x5d: {  	_ =	shalt  }
0x5e: {  	_ =	shalt  }
0x5f: {  	_ =	shalt  }
0x60: {  	_ =	shalt  }
0x61: {  	_ =	shalt  }
0x62: {  	_ =	shalt  }
0x63: {  	_ =	shalt  }
0x64: {  	_ =	shalt  }
0x65: {  	_ =	shalt  }
0x66: {  	_ =	shalt  }
0x67: {  	_ =	shalt  }
0x68: {  	_ =	shalt  }
0x69: {  	_ =	shalt  }
0x6a: {  	_ =	shalt  }
0x6b: {  	_ =	shalt  }
0x6c: {  	_ =	shalt  }
0x6d: {  	_ =	shalt  }
0x6e: {  	_ =	shalt  }
0x6f: {  	_ =	shalt  }
0x70: {  	_ =	shalt  }
0x71: {  	_ =	shalt  }
0x72: {  	_ =	shalt  }
0x73: {  	_ =	shalt  }
0x74: {  	_ =	shalt  }
0x75: {  	_ =	shalt  }
0x76: {  	_ =	shalt  }
0x77: {  	_ =	shalt  }
0x78: {  	_ =	shalt  }
0x79: {  	_ =	shalt  }
0x7a: {  	_ =	shalt  }
0x7b: {  	_ =	shalt  }
0x7c: {  	_ =	shalt  }
0x7d: {  	_ =	shalt  }
0x7e: {  	_ =	shalt  }
0x7f: {  	_ =	shalt  }
0x80: {  	_ =	shalt  }
0x81: {  	_ =	shalt  }
0x82: {  	_ =	shalt  }
0x83: {  	_ =	shalt  }
0x84: {  	_ =	shalt  }
0x85: {  	_ =	shalt  }
0x86: {  	_ =	shalt  }
0x87: {  	_ =	shalt  }
.Lfunc_end0:
.L_simem_size_0:
called_computation_lowered:
.L_overlay_start_0:
0x88: {  	s2 =	sld [smem:$0x3FD9]  }
0x89: {  	s3 =	sld [smem:$0x3FFE];
	_ =	sdelay $0x1  }
0x8a: {  	s1 =	srdreg.scid  }
0x8b: {  	s0 =	sand.u32 $0x1, s1  }
0x8c: {  	s17 =	sshll.u32 s0, $0xA;
	s2 =	sadd.s32 s3, s2  }
0x8d: {  	s2 =	sadd.s32 s2, s17  }
0x8e: {  	[smem:$0x3FC6] =	sst s2  }
0x8f: {  	_ = 	snop  }
0x90: {  	s2 =	sld [smem:$0x3FD0];
	(tm) =	ssettm $0x1  }
0x91: {  	s18 =	sld [smem:$0x3FFB];
	_ =	sdelay $0x3  }
0x92: {  	_ =	strace s18  }
0x93: {  	s3 =	sld [smem:$0x3FFC];
	_ =	sdelay $0x3  }
0x94: {  	_ =	strace s3  }
0x95: {  	s3 =	sld [smem:$0x3FFD];
	_ =	sdelay $0x3  }
0x96: {  	_ =	strace s3  }
0x97: {  	_ =	strace $0x8FFFFFFF  }
0x98: {  	s19 =	sld [smem:$0x3FDB];
	_ =	sdelay $0x1  }
0x99: {  	s4 =	simm.s32 $_scs_section_size  }
0x9a: {  	s5 =	simm.s32 $_size__tile_overlayer_lowered;
	s6 =	simm.s32 $_tile_overlayer_lowered  }
0x9b: {  	s22 =	simm.s32 $0x1BFF;
	s21 =	sshll.u32 s6, $0x1;
	s3 =	sadd.s32 s4, s19  }
0x9c: {  	s7 =	simm.s32 $0x0;
	s20 =	sshll.u32 s5, $0x1;
	s5 =	sadd.s32 s21, s3  }
0x9d: {  	[timem:s7], [sflag:s22] =	dma.local [hbm:s5], s20  }
0x9e: {  	_ =	swait.ge [sflag:s22], s20  }
0x9f: {  	s4 =	ssub.s32 $0x0, s20;
	[sflag:s22] =	ssyncset.done $0x0  }
0xa0: {  	[sflag:s22] =	ssyncadd.s32 s4;
	_ =	sdelay $0x1  }
0xa1: {  	s23 =	simm.s32 $0x1B8B  }
0xa2: {  	_ =	swait.ge [sflag:s23], $0x1  }
0xa3: {  	[sflag:s23] =	ssyncset.done $0x0  }
0xa4: {  	s25 =	simm.s32 $0x1B8E;
	s24 =	sld [smem:$0x3FFE];
	[sflag:s23] =	ssyncadd.s32 $0xFFFFFFFF  }
0xa5: {  	s26 =	simm.s32 $execute0_lowered;
	[smem:$0x3FD2] =	sst s25  }
0xa6: {  	s5 =	sshll.u32 s26, $0x1;
	_ =	strace $0x80000046;
	[dreg:$0x1] =	wrdreg $0xFFFFFFFF  }
0xa7: {  	s28 =	simm.s32 $_size_execute0_lowered;
	s3 =	sadd.s32 s3, s5;
	[dreg:$0x0] =	wrdreg $0x0  }
0xa8: {  	s5 =	sshll.u32 s28, $0x1;
	[dreg:$0x2] =	wrdreg s3  }
0xa9: {  	[dreg:$0x3] =	wrdreg s5  }
0xaa: {  	[dreg:$0x4] =	wrdreg $0xC0  }
0xab: {  	_ =	task [dreg:s7], $0x5FFFF  }
0xac: {  	[dreg:$0x1] =	wrdreg $0xFFFFFFFF  }
0xad: {  	[dreg:$0x0] =	wrdreg $0x60  }
0xae: {  	[dreg:$0x2] =	wrdreg s24  }
0xaf: {  	[dreg:$0x3] =	wrdreg s2  }
0xb0: {  	[dreg:$0x4] =	wrdreg $0x9  }
0xb1: {  	_ =	task.clear_ibuf [dreg:s7], $0x5FFFF;
	_ =	strace $0x90000046  }
0xb2: {  	s29 =	simm.s32 $0x9;
	_ =	strace $0x80000048  }
0xb3: {  	_ =	swait.ge [sflag:s29], $0x1  }
0xb4: {  	[sflag:s29] =	ssyncadd.s32 $0xFFFFFFFF  }
0xb5: {  	_ =	strace $0x90000048  }
0xb6: {  	_ =	sfence  }
0xb7: {  	s30 =	sld [smem:$0x0];
	_ =	sdelay $0x2  }
0xb8: {  	s31 =	sshll.u32 s1, $0xD;
	s1 =	sshrl.u32 s1, $0x2  }
0xb9: {  	s3 =	sand.u32 $0x4000, s31;
	s1 =	sadd.s32 s1, s30  }
0xba: {  	s0 =	sor.u32 s3, s0;
	s1 =	sshll.u32 s1, $0x11  }
0xbb: {  	s0 =	sor.u32 s1, s0  }
0xbc: {  	s0 =	sadd.s32 $0x8F2B, s0  }
0xbd: {  	[sflag:s0] =	ssyncadd.remote.s32 $0x1  }
0xbe: {  	_ =	sfence.sel $0xFFFF  }
0xbf: {  	[dreg:$0x0] =	wrdreg $0xFFFFFFFF;
	(pc) =	sbr.abs _section_cstart, $3  }
0xc0: {  	[dreg:$0x1] =	wrdreg $0xFFFFFFFF  }
0xc1: {  	_ =	task.clear_ibuf [dreg:s7], $0x2FFFF;
	_ =	strace $0x9FFFFFFF  }
0xc2: {  	(tm) =	ssettm $0x7FFFFFFF  }
0xc3: {  	_ =	shalt  }
tec
execute0_lowered:
.L_overlay_start_1:
0x0: {  	(tag) =	ssettag $0x1  }
0x1: {  	s6 =	rddreg [dreg:$0x0]  }
0x2: {  	s2 =	rddreg [dreg:$0x1]  }
0x3: {  	s0 =	rddreg [dreg:$0x2];
	s4 =	srdreg.scid  }
0x4: {  	s1 =	stileid.u32;
	s3 =	simm.s32 $0x0;
	s15 =	simm.s32 $0x1C000  }
0x5: {  	s16 =	simm.s32 $0x1C400;
	s17 =	simm.s32 $0x2000;
	s18 =	simm.s32 $0x1000000  }
0x6: {  	s19 =	simm.s32 $0x1;
	s20 =	simm.s32 $0x0;
	s12 =	sand.u32 $0x1, s4  }
0x7: {  	s30 =	sshll.u32 s1, $0x1;
	[smem:$0x7FF] =	sst s3;
	s4 =	sadd.s32 $0x7C00, s6  }
0x8: {  	s5 =	sadd.s32 $0x400, s6;
	s13 =	sshll.u32 s1, $0x11;
	s7 =	sor.u32 s12, s30  }
0x9: {  	_ =	strace $0x80000047;
	s9 =	ssub.s32 $0x2, s12;
	s13 =	sadd.s32 s13, s2  }
0xa: {  	s14 =	sshll.u32 s12, $0x10;
	s8 =	smul.u32 $0x380, s7;
	s10 =	sshrl.u32 s9, $0x1  }
0xb: {  	s31 =	sshll.u32 s7, $0x10;
	s13 =	sadd.s32 s14, s13;
	s14 =	simm.s32 $0x2  }
0xc: {  	s9 =	ssub.s32 s9, s10;
	s8 =	sadd.s32 s8, s6;
	s6 =	sshll.u32 s7, $0x9  }
0xd: {  	s9 =	smax.u32 s9, $0x1;
	s7 =	sadd.s32 $0xC00, s8;
	s8 =	sadd.s32 s2, s31  }
0xe: {  	s10 =	sadd.s32 $0x400, s8;
	s11 =	sadd.s32 $0x800, s8;
	s12 =	sadd.s32 $0xC00, s8  }
.LBB2_1:
0xf: {  	[tilespmem:s3], [sflag:$0x2] =	stream.linear.gather [hbm4b:s4+s3], $0x1C000, $0x38;
	[tilespmem:$0x1E000] =	vst v63  }
0x10: {  	_ =	swait.ge [sflag:s14], $0x1C000  }
0x11: {  	[sflag:s14] =	ssyncset.done $0x0  }
0x12: {  	[sflag:s14] =	ssyncadd.s32 $0xFFFE4000  }
0x13: {  	[tilespmem:s15], [sflag:$0x2] =	stream.linear.gather [hbm4b:s5+s3], $0x400, $0x38;
	[tilespmem:$0x1E000] =	vst v63  }
0x14: {  	_ =	swait.ge [sflag:s14], $0x400  }
0x15: {  	[sflag:s14] =	ssyncset.done $0x0  }
0x16: {  	[sflag:s14] =	ssyncadd.s32 $0xFFFFFC00  }
0x17: {  	[tilespmem:s16], [sflag:$0x2] =	stream.linear.gather [hbm4b:s7+s3], $0x1C00, $0x38;
	[tilespmem:$0x1E000] =	vst v63  }
0x18: {  	_ =	swait.ge [sflag:s14], $0x1C00  }
0x19: {  	[sflag:s14] =	ssyncset.done $0x0  }
0x1a: {  	[sflag:s14] =	ssyncadd.s32 $0xFFFFE400  }
0x1b: {  	[hbm4b:s8+s17] =	stream.strided.scatter [tilespmem:s3], [sflag:$0x1], $0x1C000, s18, s17, $0x38;
	[tilespmem:$0x1E000] =	vst v63  }
0x1c: {  	_ = 	snop  }
0x1d: {  	[hbm4b:s10+s17] =	stream.strided.scatter [tilespmem:s3], [sflag:$0x1], $0x1C000, s18, s17, $0x38;
	[tilespmem:$0x1E000] =	vst v63  }
0x1e: {  	_ = 	snop  }
0x1f: {  	[hbm4b:s11+s17] =	stream.strided.scatter [tilespmem:s3], [sflag:$0x1], $0x1C000, s18, s17, $0x38;
	[tilespmem:$0x1E000] =	vst v63  }
0x20: {  	_ = 	snop  }
0x21: {  	[hbm4b:s12+s17] =	stream.strided.scatter [tilespmem:s3], [sflag:$0x1], $0x1C000, s18, s17, $0x38;
	[tilespmem:$0x1E000] =	vst v63  }
0x22: {  	s21 =	sadd.s32 $0x1000, s13  }
0x23: {  	[hbm4b:s21+s17] =	stream.strided.scatter [tilespmem:s3], [sflag:$0x1], $0x1C000, s18, s17, $0x38;
	[tilespmem:$0x1E000] =	vst v63  }
0x24: {  	_ =	swait.ge [sflag:s19], $0x1C000  }
0x25: {  	s21 =	simm.s32 $0x1400;
	[sflag:s19] =	ssyncset.done $0x0  }
.LBB2_2:
0x26: {  	s22 =	sadd.s32 s21, s13;
	[sflag:s19] =	ssyncadd.s32 $0xFFFE4000;
	p0 =	sne.s32 s21, $0xFC00  }
0x27: {  	[hbm4b:s22+s17] =	stream.strided.scatter [tilespmem:s3], [sflag:$0x1], $0x1C000, s18, s17, $0x38;
	[tilespmem:$0x1E000] =	vst v63  }
.Ltmp0:
0x28: {  	_ = 	snop;
	(pc) =	sbr.rel @p0 .LBB2_2-.Ltmp0, $4  }
0x29: {  	_ = 	snop  }
0x2a: {  	s21 =	sadd.s32 $0x400, s21  }
0x2b: {  	_ =	swait.ge [sflag:s19], $0x1C000  }
0x2c: {  	[sflag:s19] =	ssyncset.done $0x0  }
0x2d: {  	[sflag:s19] =	ssyncadd.s32 $0xFFFE4000  }
0x2e: {  	_ =	swait.ge [sflag:s19], $0x1C000  }
0x2f: {  	[sflag:s19] =	ssyncset.done $0x0  }
0x30: {  	[sflag:s19] =	ssyncadd.s32 $0xFFFE4000  }
0x31: {  	_ =	swait.ge [sflag:s19], $0x1C000  }
0x32: {  	[sflag:s19] =	ssyncset.done $0x0  }
0x33: {  	[sflag:s19] =	ssyncadd.s32 $0xFFFE4000  }
0x34: {  	_ =	swait.ge [sflag:s19], $0x1C000  }
0x35: {  	[sflag:s19] =	ssyncset.done $0x0  }
0x36: {  	[sflag:s19] =	ssyncadd.s32 $0xFFFE4000  }
0x37: {  	_ =	swait.ge [sflag:s19], $0x1C000  }
0x38: {  	[sflag:s19] =	ssyncset.done $0x0  }
0x39: {  	s21 =	simm.s32 $0x0;
	s22 =	simm.s32 $0x1C400;
	[sflag:s19] =	ssyncadd.s32 $0xFFFE4000  }
.LBB2_4:
0x3a: {  	v0 =	vld [tilespmem:s22+$0x0];
	_ =	sdelay $0x4  }
0x3b: {  	(v2sf) =	vpush v0, $0x0;
	_ =	sdelay $0xe  }
0x3c: {  	s23 =	spop (v2sf)  }
0x3d: {  	p1 =	sne.s32 s23, $0x0  }
0x3e: {  	s23 =	sand.u32 @!p1 $0xFFFE, s21  }
0x3f: {  	s23 =	sshrl.u32 @!p1 s23, $0x1  }
0x40: {  	s23 =	smul.u32 @!p1 $0x4925, s23;
	_ =	sdelay $0x1  }
0x41: {  	s24 =	sshrl.u32 @!p1 s23, $0x11  }
0x42: {  	s25 =	smul.u32 @!p1 $0xE, s24;
	_ =	sdelay $0x1  }
0x43: {  	s25 =	ssub.s32 @!p1 s21, s25  }
0x44: {  	s23 =	sshrl.u32 @!p1 s23, $0xD;
	s24 =	sadd.s32 @!p1 s24, s6;
	s25 =	sshll.u32 @!p1 s25, $0x15  }
0x45: {  	s23 =	sand.u32 @!p1 $0x70, s23;
	s24 =	sshll.u32 @!p1 s24, $0x7;
	s25 =	sadd.s32 @!p1 s2, s25  }
0x46: {  	s26 =	simm.s32 @!p1 $0x1C000;
	s24 =	sand.u32 @!p1 $0x3FFC00, s24;
	s23 =	sadd.s32 @!p1 s23, s25  }
0x47: {  	s25 =	simm.s32 @!p1 $0x400;
	s23 =	sadd.s32 @!p1 s24, s23;
	s24 =	simm.s32 @!p1 $0x80  }
0x48: {  	[hbm4b:s23+s24] =	stream.strided.scatter @!p1 [tilespmem:s26], [sflag:$0x3], $0x400, s25, s24, $0x38;
	[tilespmem:$0x1E000] =	vst v63  }
0x49: {  	s23 =	simm.s32 @!p1 $0x3  }
0x4a: {  	_ =	swait.ge @!p1 [sflag:s23], $0x400  }
0x4b: {  	(v2sf) =	vpush v0, $0x1;
	_ =	sdelay $0xe  }
0x4c: {  	s29 =	spop (v2sf)  }
0x4d: {  	p0 =	sne.s32 s29, $0x0  }
0x4e: {  	s24 =	sand.u32 @!p0 $0xFFFE, s21  }
0x4f: {  	s24 =	sshrl.u32 @!p0 s24, $0x1  }
0x50: {  	s24 =	smul.u32 @!p0 $0x4925, s24;
	_ =	sdelay $0x1  }
0x51: {  	s25 =	sshrl.u32 @!p0 s24, $0x11  }
0x52: {  	s26 =	smul.u32 @!p0 $0xE, s25  }
0x53: {  	[sflag:s23] =	ssyncset.done @!p1 $0x0;
	s28 =	sor.u32 @!p0 $0x1, s21  }
0x54: {  	[sflag:s23] =	ssyncadd.s32 @!p1 $0xFFFFFC00;
	s26 =	ssub.s32 @!p0 s28, s26  }
0x55: {  	s24 =	sshrl.u32 @!p0 s24, $0xD;
	s25 =	sadd.s32 @!p0 s25, s6;
	s26 =	sshll.u32 @!p0 s26, $0x15  }
0x56: {  	s24 =	sand.u32 @!p0 $0x70, s24;
	s25 =	sshll.u32 @!p0 s25, $0x7;
	s26 =	sadd.s32 @!p0 s2, s26  }
0x57: {  	s25 =	sand.u32 @!p0 $0x3FFC00, s25;
	s24 =	sadd.s32 @!p0 s24, s26;
	s26 =	simm.s32 @!p0 $0x1C000  }
0x58: {  	s23 =	sadd.s32 @!p0 s25, s24;
	s24 =	simm.s32 @!p0 $0x80;
	s25 =	simm.s32 @!p0 $0x400  }
0x59: {  	[hbm4b:s23+s24] =	stream.strided.scatter @!p0 [tilespmem:s26], [sflag:$0x3], $0x400, s25, s24, $0x38;
	[tilespmem:$0x1E000] =	vst v63  }
0x5a: {  	s23 =	simm.s32 @!p0 $0x3  }
0x5b: {  	_ =	swait.ge @!p0 [sflag:s23], $0x400  }
0x5c: {  	(v2sf) =	vpush v0, $0x2;
	_ =	sdelay $0xe  }
0x5d: {  	s30 =	spop (v2sf)  }
0x5e: {  	p1 =	sne.s32 s30, $0x0  }
0x5f: {  	s24 =	sor.u32 @!p1 $0x2, s21  }
0x60: {  	s25 =	sand.u32 @!p1 $0xFFFE, s24  }
0x61: {  	s25 =	sshrl.u32 @!p1 s25, $0x1  }
0x62: {  	s25 =	smul.u32 @!p1 $0x4925, s25;
	_ =	sdelay $0x1  }
0x63: {  	s26 =	sshrl.u32 @!p1 s25, $0x11  }
0x64: {  	s28 =	smul.u32 @!p1 $0xE, s26  }
0x65: {  	[sflag:s23] =	ssyncset.done @!p0 $0x0  }
0x66: {  	[sflag:s23] =	ssyncadd.s32 @!p0 $0xFFFFFC00;
	s24 =	ssub.s32 @!p1 s24, s28  }
0x67: {  	s25 =	sshrl.u32 @!p1 s25, $0xD;
	s26 =	sadd.s32 @!p1 s26, s6;
	s24 =	sshll.u32 @!p1 s24, $0x15  }
0x68: {  	s25 =	sand.u32 @!p1 $0x70, s25;
	s26 =	sshll.u32 @!p1 s26, $0x7;
	s24 =	sadd.s32 @!p1 s2, s24  }
0x69: {  	s26 =	sand.u32 @!p1 $0x3FFC00, s26;
	s24 =	sadd.s32 @!p1 s25, s24;
	s25 =	simm.s32 @!p1 $0x400  }
0x6a: {  	s23 =	sadd.s32 @!p1 s26, s24;
	s24 =	simm.s32 @!p1 $0x80;
	s26 =	simm.s32 @!p1 $0x1C000  }
0x6b: {  	[hbm4b:s23+s24] =	stream.strided.scatter @!p1 [tilespmem:s26], [sflag:$0x3], $0x400, s25, s24, $0x38;
	[tilespmem:$0x1E000] =	vst v63  }
0x6c: {  	s23 =	simm.s32 @!p1 $0x3  }
0x6d: {  	_ =	swait.ge @!p1 [sflag:s23], $0x400  }
0x6e: {  	(v2sf) =	vpush v0, $0x3;
	_ =	sdelay $0xe  }
0x6f: {  	s31 =	spop (v2sf)  }
0x70: {  	p0 =	sne.s32 s31, $0x0  }
0x71: {  	s24 =	sor.u32 @!p0 $0x3, s21  }
0x72: {  	s25 =	sand.u32 @!p0 $0xFFFE, s24  }
0x73: {  	s25 =	sshrl.u32 @!p0 s25, $0x1  }
0x74: {  	s25 =	smul.u32 @!p0 $0x4925, s25;
	_ =	sdelay $0x1  }
0x75: {  	s26 =	sshrl.u32 @!p0 s25, $0x11  }
0x76: {  	s28 =	smul.u32 @!p0 $0xE, s26  }
0x77: {  	[sflag:s23] =	ssyncset.done @!p1 $0x0  }
0x78: {  	[sflag:s23] =	ssyncadd.s32 @!p1 $0xFFFFFC00;
	s24 =	ssub.s32 @!p0 s24, s28  }
0x79: {  	s25 =	sshrl.u32 @!p0 s25, $0xD;
	s26 =	sadd.s32 @!p0 s26, s6;
	s24 =	sshll.u32 @!p0 s24, $0x15  }
0x7a: {  	s25 =	sand.u32 @!p0 $0x70, s25;
	s26 =	sshll.u32 @!p0 s26, $0x7;
	s24 =	sadd.s32 @!p0 s2, s24  }
0x7b: {  	s26 =	sand.u32 @!p0 $0x3FFC00, s26;
	s24 =	sadd.s32 @!p0 s25, s24;
	s25 =	simm.s32 @!p0 $0x400  }
0x7c: {  	s23 =	sadd.s32 @!p0 s26, s24;
	s24 =	simm.s32 @!p0 $0x80;
	s26 =	simm.s32 @!p0 $0x1C000  }
0x7d: {  	[hbm4b:s23+s24] =	stream.strided.scatter @!p0 [tilespmem:s26], [sflag:$0x3], $0x400, s25, s24, $0x38;
	[tilespmem:$0x1E000] =	vst v63  }
0x7e: {  	s23 =	simm.s32 @!p0 $0x3  }
0x7f: {  	_ =	swait.ge @!p0 [sflag:s23], $0x400  }
0x80: {  	(v2sf) =	vpush v0, $0x4;
	_ =	sdelay $0xe  }
0x81: {  	s25 =	spop (v2sf)  }
0x82: {  	p1 =	sne.s32 s25, $0x0  }
0x83: {  	s24 =	sor.u32 @!p1 $0x4, s21  }
0x84: {  	s25 =	sand.u32 @!p1 $0xFFFE, s24  }
0x85: {  	s25 =	sshrl.u32 @!p1 s25, $0x1  }
0x86: {  	s25 =	smul.u32 @!p1 $0x4925, s25;
	_ =	sdelay $0x1  }
0x87: {  	s26 =	sshrl.u32 @!p1 s25, $0x11  }
0x88: {  	s28 =	smul.u32 @!p1 $0xE, s26  }
0x89: {  	[sflag:s23] =	ssyncset.done @!p0 $0x0  }
0x8a: {  	[sflag:s23] =	ssyncadd.s32 @!p0 $0xFFFFFC00;
	s24 =	ssub.s32 @!p1 s24, s28  }
0x8b: {  	s25 =	sshrl.u32 @!p1 s25, $0xD;
	s26 =	sadd.s32 @!p1 s26, s6;
	s24 =	sshll.u32 @!p1 s24, $0x15  }
0x8c: {  	s25 =	sand.u32 @!p1 $0x70, s25;
	s26 =	sshll.u32 @!p1 s26, $0x7;
	s24 =	sadd.s32 @!p1 s2, s24  }
0x8d: {  	s26 =	sand.u32 @!p1 $0x3FFC00, s26;
	s24 =	sadd.s32 @!p1 s25, s24;
	s25 =	simm.s32 @!p1 $0x400  }
0x8e: {  	s23 =	sadd.s32 @!p1 s26, s24;
	s24 =	simm.s32 @!p1 $0x80;
	s26 =	simm.s32 @!p1 $0x1C000  }
0x8f: {  	[hbm4b:s23+s24] =	stream.strided.scatter @!p1 [tilespmem:s26], [sflag:$0x3], $0x400, s25, s24, $0x38;
	[tilespmem:$0x1E000] =	vst v63  }
0x90: {  	s23 =	simm.s32 @!p1 $0x3  }
0x91: {  	_ =	swait.ge @!p1 [sflag:s23], $0x400  }
0x92: {  	(v2sf) =	vpush v0, $0x5;
	_ =	sdelay $0xe  }
0x93: {  	s26 =	spop (v2sf)  }
0x94: {  	p0 =	sne.s32 s26, $0x0  }
0x95: {  	s24 =	sor.u32 @!p0 $0x5, s21  }
0x96: {  	s25 =	sand.u32 @!p0 $0xFFFE, s24  }
0x97: {  	s25 =	sshrl.u32 @!p0 s25, $0x1  }
0x98: {  	s25 =	smul.u32 @!p0 $0x4925, s25;
	_ =	sdelay $0x1  }
0x99: {  	s26 =	sshrl.u32 @!p0 s25, $0x11  }
0x9a: {  	s28 =	smul.u32 @!p0 $0xE, s26  }
0x9b: {  	[sflag:s23] =	ssyncset.done @!p1 $0x0  }
0x9c: {  	[sflag:s23] =	ssyncadd.s32 @!p1 $0xFFFFFC00;
	s24 =	ssub.s32 @!p0 s24, s28  }
0x9d: {  	s25 =	sshrl.u32 @!p0 s25, $0xD;
	s26 =	sadd.s32 @!p0 s26, s6;
	s24 =	sshll.u32 @!p0 s24, $0x15  }
0x9e: {  	s25 =	sand.u32 @!p0 $0x70, s25;
	s26 =	sshll.u32 @!p0 s26, $0x7;
	s24 =	sadd.s32 @!p0 s2, s24  }
0x9f: {  	s26 =	sand.u32 @!p0 $0x3FFC00, s26;
	s24 =	sadd.s32 @!p0 s25, s24;
	s25 =	simm.s32 @!p0 $0x400  }
0xa0: {  	s23 =	sadd.s32 @!p0 s26, s24;
	s24 =	simm.s32 @!p0 $0x80;
	s26 =	simm.s32 @!p0 $0x1C000  }
0xa1: {  	[hbm4b:s23+s24] =	stream.strided.scatter @!p0 [tilespmem:s26], [sflag:$0x3], $0x400, s25, s24, $0x38;
	[tilespmem:$0x1E000] =	vst v63  }
0xa2: {  	s23 =	simm.s32 @!p0 $0x3  }
0xa3: {  	_ =	swait.ge @!p0 [sflag:s23], $0x400  }
0xa4: {  	(v2sf) =	vpush v0, $0x6;
	_ =	sdelay $0xe  }
0xa5: {  	s28 =	spop (v2sf)  }
0xa6: {  	p1 =	sne.s32 s28, $0x0  }
0xa7: {  	s24 =	sor.u32 @!p1 $0x6, s21  }
0xa8: {  	s25 =	sand.u32 @!p1 $0xFFFE, s24  }
0xa9: {  	s25 =	sshrl.u32 @!p1 s25, $0x1  }
0xaa: {  	s25 =	smul.u32 @!p1 $0x4925, s25;
	_ =	sdelay $0x1  }
0xab: {  	s26 =	sshrl.u32 @!p1 s25, $0x11  }
0xac: {  	s28 =	smul.u32 @!p1 $0xE, s26  }
0xad: {  	[sflag:s23] =	ssyncset.done @!p0 $0x0  }
0xae: {  	[sflag:s23] =	ssyncadd.s32 @!p0 $0xFFFFFC00;
	s24 =	ssub.s32 @!p1 s24, s28  }
0xaf: {  	s25 =	sshrl.u32 @!p1 s25, $0xD;
	s26 =	sadd.s32 @!p1 s26, s6;
	s24 =	sshll.u32 @!p1 s24, $0x15  }
0xb0: {  	s25 =	sand.u32 @!p1 $0x70, s25;
	s26 =	sshll.u32 @!p1 s26, $0x7;
	s24 =	sadd.s32 @!p1 s2, s24  }
0xb1: {  	s26 =	sand.u32 @!p1 $0x3FFC00, s26;
	s24 =	sadd.s32 @!p1 s25, s24;
	s25 =	simm.s32 @!p1 $0x400  }
0xb2: {  	s23 =	sadd.s32 @!p1 s26, s24;
	s24 =	simm.s32 @!p1 $0x80;
	s26 =	simm.s32 @!p1 $0x1C000  }
0xb3: {  	[hbm4b:s23+s24] =	stream.strided.scatter @!p1 [tilespmem:s26], [sflag:$0x3], $0x400, s25, s24, $0x38;
	[tilespmem:$0x1E000] =	vst v63  }
0xb4: {  	s23 =	simm.s32 @!p1 $0x3  }
0xb5: {  	_ =	swait.ge @!p1 [sflag:s23], $0x400  }
0xb6: {  	(v2sf) =	vpush v0, $0x7;
	_ =	sdelay $0xe  }
0xb7: {  	s29 =	spop (v2sf)  }
0xb8: {  	p0 =	sne.s32 s29, $0x0  }
0xb9: {  	s24 =	sor.u32 @!p0 $0x7, s21  }
0xba: {  	s25 =	sand.u32 @!p0 $0xFFFE, s24  }
0xbb: {  	s25 =	sshrl.u32 @!p0 s25, $0x1  }
0xbc: {  	s25 =	smul.u32 @!p0 $0x4925, s25;
	_ =	sdelay $0x1  }
0xbd: {  	s26 =	sshrl.u32 @!p0 s25, $0x11  }
0xbe: {  	s28 =	smul.u32 @!p0 $0xE, s26  }
0xbf: {  	[sflag:s23] =	ssyncset.done @!p1 $0x0  }
0xc0: {  	[sflag:s23] =	ssyncadd.s32 @!p1 $0xFFFFFC00;
	s24 =	ssub.s32 @!p0 s24, s28  }
0xc1: {  	s25 =	sshrl.u32 @!p0 s25, $0xD;
	s26 =	sadd.s32 @!p0 s26, s6;
	s24 =	sshll.u32 @!p0 s24, $0x15  }
0xc2: {  	s25 =	sand.u32 @!p0 $0x70, s25;
	s26 =	sshll.u32 @!p0 s26, $0x7;
	s24 =	sadd.s32 @!p0 s2, s24  }
0xc3: {  	s26 =	sand.u32 @!p0 $0x3FFC00, s26;
	s24 =	sadd.s32 @!p0 s25, s24;
	s25 =	simm.s32 @!p0 $0x400  }
0xc4: {  	s23 =	sadd.s32 @!p0 s26, s24;
	s24 =	simm.s32 @!p0 $0x80;
	s26 =	simm.s32 @!p0 $0x1C000  }
0xc5: {  	[hbm4b:s23+s24] =	stream.strided.scatter @!p0 [tilespmem:s26], [sflag:$0x3], $0x400, s25, s24, $0x38;
	[tilespmem:$0x1E000] =	vst v63  }
0xc6: {  	s23 =	simm.s32 @!p0 $0x3  }
0xc7: {  	_ =	swait.ge @!p0 [sflag:s23], $0x400  }
0xc8: {  	(v2sf) =	vpush v0, $0x8;
	_ =	sdelay $0xe  }
0xc9: {  	s30 =	spop (v2sf)  }
0xca: {  	p1 =	sne.s32 s30, $0x0  }
0xcb: {  	s24 =	sor.u32 @!p1 $0x8, s21  }
0xcc: {  	s25 =	sand.u32 @!p1 $0xFFFE, s24  }
0xcd: {  	s25 =	sshrl.u32 @!p1 s25, $0x1  }
0xce: {  	s25 =	smul.u32 @!p1 $0x4925, s25;
	_ =	sdelay $0x1  }
0xcf: {  	s26 =	sshrl.u32 @!p1 s25, $0x11  }
0xd0: {  	s28 =	smul.u32 @!p1 $0xE, s26  }
0xd1: {  	[sflag:s23] =	ssyncset.done @!p0 $0x0  }
0xd2: {  	[sflag:s23] =	ssyncadd.s32 @!p0 $0xFFFFFC00;
	s24 =	ssub.s32 @!p1 s24, s28  }
0xd3: {  	s25 =	sshrl.u32 @!p1 s25, $0xD;
	s26 =	sadd.s32 @!p1 s26, s6;
	s24 =	sshll.u32 @!p1 s24, $0x15  }
0xd4: {  	s25 =	sand.u32 @!p1 $0x70, s25;
	s26 =	sshll.u32 @!p1 s26, $0x7;
	s24 =	sadd.s32 @!p1 s2, s24  }
0xd5: {  	s26 =	sand.u32 @!p1 $0x3FFC00, s26;
	s24 =	sadd.s32 @!p1 s25, s24;
	s25 =	simm.s32 @!p1 $0x400  }
0xd6: {  	s23 =	sadd.s32 @!p1 s26, s24;
	s24 =	simm.s32 @!p1 $0x80;
	s26 =	simm.s32 @!p1 $0x1C000  }
0xd7: {  	[hbm4b:s23+s24] =	stream.strided.scatter @!p1 [tilespmem:s26], [sflag:$0x3], $0x400, s25, s24, $0x38;
	[tilespmem:$0x1E000] =	vst v63  }
0xd8: {  	s23 =	simm.s32 @!p1 $0x3  }
0xd9: {  	_ =	swait.ge @!p1 [sflag:s23], $0x400  }
0xda: {  	(v2sf) =	vpush v0, $0x9;
	_ =	sdelay $0xe  }
0xdb: {  	s31 =	spop (v2sf)  }
0xdc: {  	p0 =	sne.s32 s31, $0x0  }
0xdd: {  	s24 =	sor.u32 @!p0 $0x9, s21  }
0xde: {  	s25 =	sand.u32 @!p0 $0xFFFE, s24  }
0xdf: {  	s25 =	sshrl.u32 @!p0 s25, $0x1  }
0xe0: {  	s25 =	smul.u32 @!p0 $0x4925, s25;
	_ =	sdelay $0x1  }
0xe1: {  	s26 =	sshrl.u32 @!p0 s25, $0x11  }
0xe2: {  	s28 =	smul.u32 @!p0 $0xE, s26  }
0xe3: {  	[sflag:s23] =	ssyncset.done @!p1 $0x0  }
0xe4: {  	[sflag:s23] =	ssyncadd.s32 @!p1 $0xFFFFFC00;
	s24 =	ssub.s32 @!p0 s24, s28  }
0xe5: {  	s25 =	sshrl.u32 @!p0 s25, $0xD;
	s26 =	sadd.s32 @!p0 s26, s6;
	s24 =	sshll.u32 @!p0 s24, $0x15  }
0xe6: {  	s25 =	sand.u32 @!p0 $0x70, s25;
	s26 =	sshll.u32 @!p0 s26, $0x7;
	s24 =	sadd.s32 @!p0 s2, s24  }
0xe7: {  	s26 =	sand.u32 @!p0 $0x3FFC00, s26;
	s24 =	sadd.s32 @!p0 s25, s24;
	s25 =	simm.s32 @!p0 $0x400  }
0xe8: {  	s23 =	sadd.s32 @!p0 s26, s24;
	s24 =	simm.s32 @!p0 $0x80;
	s26 =	simm.s32 @!p0 $0x1C000  }
0xe9: {  	[hbm4b:s23+s24] =	stream.strided.scatter @!p0 [tilespmem:s26], [sflag:$0x3], $0x400, s25, s24, $0x38;
	[tilespmem:$0x1E000] =	vst v63  }
0xea: {  	s23 =	simm.s32 @!p0 $0x3  }
0xeb: {  	_ =	swait.ge @!p0 [sflag:s23], $0x400  }
0xec: {  	(v2sf) =	vpush v0, $0xA;
	_ =	sdelay $0xe  }
0xed: {  	s25 =	spop (v2sf)  }
0xee: {  	p1 =	sne.s32 s25, $0x0  }
0xef: {  	s24 =	sor.u32 @!p1 $0xA, s21  }
0xf0: {  	s25 =	sand.u32 @!p1 $0xFFFE, s24  }
0xf1: {  	s25 =	sshrl.u32 @!p1 s25, $0x1  }
0xf2: {  	s25 =	smul.u32 @!p1 $0x4925, s25;
	_ =	sdelay $0x1  }
0xf3: {  	s26 =	sshrl.u32 @!p1 s25, $0x11  }
0xf4: {  	s28 =	smul.u32 @!p1 $0xE, s26  }
0xf5: {  	[sflag:s23] =	ssyncset.done @!p0 $0x0  }
0xf6: {  	[sflag:s23] =	ssyncadd.s32 @!p0 $0xFFFFFC00;
	s24 =	ssub.s32 @!p1 s24, s28  }
0xf7: {  	s25 =	sshrl.u32 @!p1 s25, $0xD;
	s26 =	sadd.s32 @!p1 s26, s6;
	s24 =	sshll.u32 @!p1 s24, $0x15  }
0xf8: {  	s25 =	sand.u32 @!p1 $0x70, s25;
	s26 =	sshll.u32 @!p1 s26, $0x7;
	s24 =	sadd.s32 @!p1 s2, s24  }
0xf9: {  	s26 =	sand.u32 @!p1 $0x3FFC00, s26;
	s24 =	sadd.s32 @!p1 s25, s24;
	s25 =	simm.s32 @!p1 $0x400  }
0xfa: {  	s23 =	sadd.s32 @!p1 s26, s24;
	s24 =	simm.s32 @!p1 $0x80;
	s26 =	simm.s32 @!p1 $0x1C000  }
0xfb: {  	[hbm4b:s23+s24] =	stream.strided.scatter @!p1 [tilespmem:s26], [sflag:$0x3], $0x400, s25, s24, $0x38;
	[tilespmem:$0x1E000] =	vst v63  }
0xfc: {  	s23 =	simm.s32 @!p1 $0x3  }
0xfd: {  	_ =	swait.ge @!p1 [sflag:s23], $0x400  }
0xfe: {  	(v2sf) =	vpush v0, $0xB;
	_ =	sdelay $0xe  }
0xff: {  	s26 =	spop (v2sf)  }
0x100: {  	p0 =	sne.s32 s26, $0x0  }
0x101: {  	s24 =	sor.u32 @!p0 $0xB, s21  }
0x102: {  	s25 =	sand.u32 @!p0 $0xFFFE, s24  }
0x103: {  	s25 =	sshrl.u32 @!p0 s25, $0x1  }
0x104: {  	s25 =	smul.u32 @!p0 $0x4925, s25;
	_ =	sdelay $0x1  }
0x105: {  	s26 =	sshrl.u32 @!p0 s25, $0x11  }
0x106: {  	s28 =	smul.u32 @!p0 $0xE, s26  }
0x107: {  	[sflag:s23] =	ssyncset.done @!p1 $0x0  }
0x108: {  	[sflag:s23] =	ssyncadd.s32 @!p1 $0xFFFFFC00;
	s24 =	ssub.s32 @!p0 s24, s28  }
0x109: {  	s25 =	sshrl.u32 @!p0 s25, $0xD;
	s26 =	sadd.s32 @!p0 s26, s6;
	s24 =	sshll.u32 @!p0 s24, $0x15  }
0x10a: {  	s25 =	sand.u32 @!p0 $0x70, s25;
	s26 =	sshll.u32 @!p0 s26, $0x7;
	s24 =	sadd.s32 @!p0 s2, s24  }
0x10b: {  	s26 =	sand.u32 @!p0 $0x3FFC00, s26;
	s24 =	sadd.s32 @!p0 s25, s24;
	s25 =	simm.s32 @!p0 $0x400  }
0x10c: {  	s23 =	sadd.s32 @!p0 s26, s24;
	s24 =	simm.s32 @!p0 $0x80;
	s26 =	simm.s32 @!p0 $0x1C000  }
0x10d: {  	[hbm4b:s23+s24] =	stream.strided.scatter @!p0 [tilespmem:s26], [sflag:$0x3], $0x400, s25, s24, $0x38;
	[tilespmem:$0x1E000] =	vst v63  }
0x10e: {  	s23 =	simm.s32 @!p0 $0x3  }
0x10f: {  	_ =	swait.ge @!p0 [sflag:s23], $0x400  }
0x110: {  	(v2sf) =	vpush v0, $0xC;
	_ =	sdelay $0xe  }
0x111: {  	s28 =	spop (v2sf)  }
0x112: {  	p1 =	sne.s32 s28, $0x0  }
0x113: {  	s24 =	sor.u32 @!p1 $0xC, s21  }
0x114: {  	s25 =	sand.u32 @!p1 $0xFFFE, s24  }
0x115: {  	s25 =	sshrl.u32 @!p1 s25, $0x1  }
0x116: {  	s25 =	smul.u32 @!p1 $0x4925, s25;
	_ =	sdelay $0x1  }
0x117: {  	s26 =	sshrl.u32 @!p1 s25, $0x11  }
0x118: {  	s28 =	smul.u32 @!p1 $0xE, s26  }
0x119: {  	[sflag:s23] =	ssyncset.done @!p0 $0x0  }
0x11a: {  	[sflag:s23] =	ssyncadd.s32 @!p0 $0xFFFFFC00;
	s24 =	ssub.s32 @!p1 s24, s28  }
0x11b: {  	s25 =	sshrl.u32 @!p1 s25, $0xD;
	s26 =	sadd.s32 @!p1 s26, s6;
	s24 =	sshll.u32 @!p1 s24, $0x15  }
0x11c: {  	s25 =	sand.u32 @!p1 $0x70, s25;
	s26 =	sshll.u32 @!p1 s26, $0x7;
	s24 =	sadd.s32 @!p1 s2, s24  }
0x11d: {  	s26 =	sand.u32 @!p1 $0x3FFC00, s26;
	s24 =	sadd.s32 @!p1 s25, s24;
	s25 =	simm.s32 @!p1 $0x400  }
0x11e: {  	s23 =	sadd.s32 @!p1 s26, s24;
	s24 =	simm.s32 @!p1 $0x80;
	s26 =	simm.s32 @!p1 $0x1C000  }
0x11f: {  	[hbm4b:s23+s24] =	stream.strided.scatter @!p1 [tilespmem:s26], [sflag:$0x3], $0x400, s25, s24, $0x38;
	[tilespmem:$0x1E000] =	vst v63  }
0x120: {  	s23 =	simm.s32 @!p1 $0x3  }
0x121: {  	_ =	swait.ge @!p1 [sflag:s23], $0x400  }
0x122: {  	(v2sf) =	vpush v0, $0xD;
	_ =	sdelay $0xe  }
0x123: {  	s29 =	spop (v2sf)  }
0x124: {  	p0 =	sne.s32 s29, $0x0  }
0x125: {  	s24 =	sor.u32 @!p0 $0xD, s21  }
0x126: {  	s25 =	sand.u32 @!p0 $0xFFFE, s24  }
0x127: {  	s25 =	sshrl.u32 @!p0 s25, $0x1  }
0x128: {  	s25 =	smul.u32 @!p0 $0x4925, s25;
	_ =	sdelay $0x1  }
0x129: {  	s26 =	sshrl.u32 @!p0 s25, $0x11  }
0x12a: {  	s28 =	smul.u32 @!p0 $0xE, s26  }
0x12b: {  	[sflag:s23] =	ssyncset.done @!p1 $0x0  }
0x12c: {  	[sflag:s23] =	ssyncadd.s32 @!p1 $0xFFFFFC00;
	s24 =	ssub.s32 @!p0 s24, s28  }
0x12d: {  	s25 =	sshrl.u32 @!p0 s25, $0xD;
	s26 =	sadd.s32 @!p0 s26, s6;
	s24 =	sshll.u32 @!p0 s24, $0x15  }
0x12e: {  	s25 =	sand.u32 @!p0 $0x70, s25;
	s26 =	sshll.u32 @!p0 s26, $0x7;
	s24 =	sadd.s32 @!p0 s2, s24  }
0x12f: {  	s26 =	sand.u32 @!p0 $0x3FFC00, s26;
	s24 =	sadd.s32 @!p0 s25, s24;
	s25 =	simm.s32 @!p0 $0x400  }
0x130: {  	s23 =	sadd.s32 @!p0 s26, s24;
	s24 =	simm.s32 @!p0 $0x80;
	s26 =	simm.s32 @!p0 $0x1C000  }
0x131: {  	[hbm4b:s23+s24] =	stream.strided.scatter @!p0 [tilespmem:s26], [sflag:$0x3], $0x400, s25, s24, $0x38;
	[tilespmem:$0x1E000] =	vst v63  }
0x132: {  	s23 =	simm.s32 @!p0 $0x3  }
0x133: {  	_ =	swait.ge @!p0 [sflag:s23], $0x400  }
0x134: {  	(v2sf) =	vpush v0, $0xE;
	_ =	sdelay $0xe  }
0x135: {  	s30 =	spop (v2sf)  }
0x136: {  	p1 =	sne.s32 s30, $0x0  }
0x137: {  	s24 =	sor.u32 @!p1 $0xE, s21  }
0x138: {  	s25 =	sand.u32 @!p1 $0xFFFE, s24  }
0x139: {  	s25 =	sshrl.u32 @!p1 s25, $0x1  }
0x13a: {  	s25 =	smul.u32 @!p1 $0x4925, s25;
	_ =	sdelay $0x1  }
0x13b: {  	s26 =	sshrl.u32 @!p1 s25, $0x11  }
0x13c: {  	s28 =	smul.u32 @!p1 $0xE, s26  }
0x13d: {  	[sflag:s23] =	ssyncset.done @!p0 $0x0  }
0x13e: {  	[sflag:s23] =	ssyncadd.s32 @!p0 $0xFFFFFC00;
	s24 =	ssub.s32 @!p1 s24, s28  }
0x13f: {  	s25 =	sshrl.u32 @!p1 s25, $0xD;
	s26 =	sadd.s32 @!p1 s26, s6;
	s24 =	sshll.u32 @!p1 s24, $0x15  }
0x140: {  	s25 =	sand.u32 @!p1 $0x70, s25;
	s26 =	sshll.u32 @!p1 s26, $0x7;
	s24 =	sadd.s32 @!p1 s2, s24  }
0x141: {  	s26 =	sand.u32 @!p1 $0x3FFC00, s26;
	s24 =	sadd.s32 @!p1 s25, s24;
	s25 =	simm.s32 @!p1 $0x400  }
0x142: {  	s23 =	sadd.s32 @!p1 s26, s24;
	s24 =	simm.s32 @!p1 $0x80;
	s26 =	simm.s32 @!p1 $0x1C000  }
0x143: {  	[hbm4b:s23+s24] =	stream.strided.scatter @!p1 [tilespmem:s26], [sflag:$0x3], $0x400, s25, s24, $0x38;
	[tilespmem:$0x1E000] =	vst v63  }
0x144: {  	s23 =	simm.s32 @!p1 $0x3  }
0x145: {  	_ =	swait.ge @!p1 [sflag:s23], $0x400  }
0x146: {  	(v2sf) =	vpush v0, $0xF;
	_ =	sdelay $0xe  }
0x147: {  	s31 =	spop (v2sf)  }
0x148: {  	p0 =	sne.s32 s31, $0x0  }
0x149: {  	s24 =	sor.u32 @!p0 $0xF, s21  }
0x14a: {  	s25 =	sand.u32 @!p0 $0xFFFE, s24  }
0x14b: {  	s25 =	sshrl.u32 @!p0 s25, $0x1  }
0x14c: {  	s25 =	smul.u32 @!p0 $0x4925, s25;
	_ =	sdelay $0x1  }
0x14d: {  	s26 =	sshrl.u32 @!p0 s25, $0x11  }
0x14e: {  	s28 =	smul.u32 @!p0 $0xE, s26  }
0x14f: {  	[sflag:s23] =	ssyncset.done @!p1 $0x0;
	s21 =	sadd.s32 $0x10, s21  }
0x150: {  	[sflag:s23] =	ssyncadd.s32 @!p1 $0xFFFFFC00;
	p1 =	sne.s32 s21, $0x1C00;
	s24 =	ssub.s32 @!p0 s24, s28  }
0x151: {  	s25 =	sshrl.u32 @!p0 s25, $0xD;
	s26 =	sadd.s32 @!p0 s26, s6;
	s24 =	sshll.u32 @!p0 s24, $0x15  }
0x152: {  	s25 =	sand.u32 @!p0 $0x70, s25;
	s26 =	sshll.u32 @!p0 s26, $0x7;
	s24 =	sadd.s32 @!p0 s2, s24  }
0x153: {  	s26 =	sand.u32 @!p0 $0x3FFC00, s26;
	s24 =	sadd.s32 @!p0 s25, s24;
	s25 =	simm.s32 @!p0 $0x400  }
0x154: {  	s23 =	sadd.s32 @!p0 s26, s24;
	s24 =	simm.s32 @!p0 $0x80;
	s26 =	simm.s32 @!p0 $0x1C000  }
0x155: {  	[hbm4b:s23+s24] =	stream.strided.scatter @!p0 [tilespmem:s26], [sflag:$0x2], $0x400, s25, s24, $0x38;
	[tilespmem:$0x1E000] =	vst v63  }
.Ltmp1:
0x156: {  	_ = 	snop;
	(pc) =	sbr.rel @p1 .LBB2_4-.Ltmp1, $4  }
0x157: {  	s23 =	simm.s32 @!p0 $0x2  }
0x158: {  	_ =	swait.ge @!p0 [sflag:s23], $0x400  }
0x159: {  	[sflag:s23] =	ssyncset.done @!p0 $0x0  }
0x15a: {  	s22 =	sadd.s32 $0x10, s22;
	[sflag:s23] =	ssyncadd.s32 @!p0 $0xFFFFFC00  }
0x15b: {  	s20 =	sadd.s32 $0x1, s20  }
0x15c: {  	p0 =	sne.s32 s20, s9  }
.Ltmp2:
0x15d: {  	_ = 	snop;
	(pc) =	sbr.rel @p0 .LBB2_1-.Ltmp2, $1  }
0x15e: {  	_ =	sdelay $0x3  }
0x15f: {  	_ =	sfence.sel $0x180000  }
0x160: {  	[bflag:$0x0] =	sbarrier.arrive $0xFFFF  }
0x161: {  	p0 =	sne.s32 s1, $0x0;
	_ =	strace $0x90000047  }
0x162: {  	s0 =	sadd.s32 @!p0 $0x100000, s0;
	[bflag:$0x2] =	sbarrier.arrive $0xFFFF  }
0x163: {  	[sflag:s0] =	ssyncadd.tile.s32 @!p0 $0x1;
	_ =	shalt  }
.Lfunc_end2:
_tile_overlayer_lowered:
.L_overlay_start_2:
0x164: {  	(tag) =	ssettag $0x2  }
0x165: {  	s0 =	rddreg [dreg:$0x0];
	s2 =	stileid.u32  }
0x166: {  	s1 =	rddreg [dreg:$0x1];
	p0 =	sne.s32 s2, $0x0  }
0x167: {  	s3 =	rddreg [dreg:$0x2];
	[bflag:$0x3] =	sbarrier.arrive $0xFFFF;
	s2 =	simm.s32 @!p0 $0x1C02  }
0x168: {  	[timem:s3], [sflag:s2] =	dma.local @!p0 [hbm:s0], s1  }
0x169: {  	s0 =	simm.s32 @!p0 $0x2  }
0x16a: {  	_ =	swait.ge @!p0 [sflag:s0], s1  }
0x16b: {  	s1 =	ssub.s32 @!p0 $0x0, s1;
	[sflag:s0] =	ssyncset.done @!p0 $0x0  }
0x16c: {  	[sflag:s0] =	ssyncadd.s32 @!p0 s1  }
0x16d: {  	[bflag:$0x3] =	sbarrier.arrive $0xFFFF  }
0x16e: {  	_ =	shalt  }

</sc_bundles>
